<compile_context>
chip_gen: v7x
topology: tpu7x:2x2x1
jax: 0.10.2.dev20260603
libtpu: 0.0.44.dev20260713+nightly
codegen_flags: <defaults>
</compile_context>

<pallas_src>
import functools

import jax
import jax.numpy as jnp
from jax import lax
from jax.experimental import pallas as pl
from jax.experimental.pallas import tpu as pltpu
from jax.experimental.pallas import tpu_sc as plsc

_B, _P, _D = 2, 1024, 1024
_NR, _NS, _K = 128, 128, 4
_PAIRS = ((2, 1), (4, 2), (6, 3))
_TOTAL = 3 * _B * _NR * _NS * _K


def _dotT(a, b):
    return lax.dot_general(a, b, (((1,), (1,)), ((), ())),
                           preferred_element_type=jnp.float32,
                           precision=lax.Precision.DEFAULT)



def _sc_gather_rows(table, idx, n_rows):
    n_workers = 32
    per_w = n_rows // n_workers
    mesh = plsc.VectorSubcoreMesh(core_axis_name="c", subcore_axis_name="s")

    @functools.partial(
        pl.kernel,
        mesh=mesh,
        out_type=jax.ShapeDtypeStruct((n_rows, _D), jnp.float32),
        scratch_types=[
            pltpu.VMEM((per_w,), jnp.int32),
            pltpu.VMEM((per_w, _D), jnp.float32),
            pltpu.SemaphoreType.DMA,
        ],
    )
    def k(table_hbm, idx_hbm, out_hbm, idx_v, rows_v, sem):
        wid = lax.axis_index("s") * 2 + lax.axis_index("c")
        base = wid * per_w
        pltpu.sync_copy(idx_hbm.at[pl.ds(base, per_w)], idx_v)
        pltpu.async_copy(table_hbm.at[idx_v], rows_v, sem).wait()
        pltpu.sync_copy(rows_v, out_hbm.at[pl.ds(base, per_w)])

    return k(table, idx)


def _sc_gather_rows2(table_a, idx_a, table_b, idx_b, n_rows):
    n_workers = 32
    per_w = n_rows // n_workers
    mesh = plsc.VectorSubcoreMesh(core_axis_name="c", subcore_axis_name="s")

    @functools.partial(
        pl.kernel,
        mesh=mesh,
        out_type=(jax.ShapeDtypeStruct((n_rows, _D), jnp.float32),
                  jax.ShapeDtypeStruct((n_rows, _D), jnp.float32)),
        scratch_types=[
            pltpu.VMEM((per_w,), jnp.int32),
            pltpu.VMEM((per_w, _D), jnp.float32),
            pltpu.SemaphoreType.DMA,
        ],
    )
    def k(ta_hbm, ia_hbm, tb_hbm, ib_hbm, oa_hbm, ob_hbm, idx_v, rows_v, sem):
        wid = lax.axis_index("s") * 2 + lax.axis_index("c")
        base = wid * per_w
        pltpu.sync_copy(ia_hbm.at[pl.ds(base, per_w)], idx_v)
        pltpu.async_copy(ta_hbm.at[idx_v], rows_v, sem).wait()
        pltpu.sync_copy(rows_v, oa_hbm.at[pl.ds(base, per_w)])
        pltpu.sync_copy(ib_hbm.at[pl.ds(base, per_w)], idx_v)
        pltpu.async_copy(tb_hbm.at[idx_v], rows_v, sem).wait()
        pltpu.sync_copy(rows_v, ob_hbm.at[pl.ds(base, per_w)])

    return k(table_a, idx_a, table_b, idx_b)



def _sim_topk_body(reft_ref, frame_ref, gidx_ref, sim_ref):
    b = pl.program_id(0)
    f = pl.program_id(1)
    frame = frame_ref[0, 0]
    reft = reft_ref[...]
    nr2 = jnp.sum(reft * reft, axis=1, keepdims=True)
    rtn = reft * jnp.where(nr2 > 1e-24, lax.rsqrt(jnp.maximum(nr2, 1e-30)),
                           jnp.float32(1e12))
    s = _dotT(frame, rtn)
    sq = frame * frame
    for w in (512, 256, 128):
        sq = sq[:, :w] + sq[:, w:2 * w]
    ne2 = jnp.sum(sq, axis=1, keepdims=True)
    sim_ref[f] = s * jnp.where(ne2 > 1e-24, lax.rsqrt(jnp.maximum(ne2, 1e-30)),
                               jnp.float32(1e12))

    @pl.when(f == 3)
    def _():
        work = sim_ref[...].reshape(4 * _P, _NR)
        row_iota = lax.broadcasted_iota(jnp.int32, (4 * _P, _NR), 0)
        gs = []
        for _k in range(_K):
            m = jnp.max(work, axis=0, keepdims=True)
            idx = jnp.min(jnp.where(work == m, row_iota, 4 * _P),
                          axis=0, keepdims=True)
            fi = idx // _P
            p = idx - fi * _P
            gs.append(b * (8 * _P) + fi * (2 * _P) + _P + p)
            work = jnp.where(row_iota == idx, -jnp.inf, work)
        gidx_ref[0] = jnp.concatenate(gs, axis=0)


def _sim_topk(gath_t, teacher):
    return pl.pallas_call(
        _sim_topk_body,
        grid=(_B, 4),
        in_specs=[
            pl.BlockSpec((_NR, _D), lambda b, f: (b, 0)),
            pl.BlockSpec((1, 1, _P, _D), lambda b, f: (b, 2 * f + 1, 0, 0)),
        ],
        out_specs=pl.BlockSpec((1, _K, _NR), lambda b, f: (b, 0, 0)),
        out_shape=jax.ShapeDtypeStruct((_B, _K, _NR), jnp.int32),
        scratch_shapes=[pltpu.VMEM((4, _P, _NR), jnp.float32)],
    )(gath_t, teacher)



def _angle_body(reft_ref, refs_ref, sht_ref, shs_ref, high_ref, out_ref):
    b = pl.program_id(0)
    j = pl.program_id(1)
    high = high_ref[...]
    ones_row = jnp.ones((1, _D), jnp.float32)

    def _inv_clamped(d2):
        return jnp.where(d2 > 1e-16, lax.rsqrt(jnp.maximum(d2, 1e-30)),
                         jnp.float32(1e8))

    nh2 = _dotT(high * high, ones_row)
    rows = lax.broadcasted_iota(jnp.int32, (4 * _NR, _NR), 0)
    cols = lax.broadcasted_iota(jnp.int32, (4 * _NR, _NR), 1)
    diag = rows % _NR == cols

    coss = []
    for refr, shr in ((reft_ref, sht_ref), (refs_ref, shs_ref)):
        refX = refr[...]
        shX = shr[...]
        ns2r = _dotT(ones_row, shX * shX)
        nr2 = jnp.sum(refX * refX, axis=1, keepdims=True)
        G_rs1 = _dotT(refX, shX)
        G_sh = _dotT(high, shX)
        G_rf = _dotT(high, refX)
        G_rh = jnp.sum(jnp.where(diag, G_rf, 0.0), axis=1, keepdims=True)
        G_rs = jnp.concatenate([G_rs1] * _K, axis=0)
        nr2_kr = jnp.concatenate([nr2] * _K, axis=0)

        d_sr2 = ns2r - 2.0 * G_rs + nr2_kr
        d_hr2 = nh2 - 2.0 * G_rh + nr2_kr
        d_sh2 = ns2r - 2.0 * G_sh + nh2
        inv_sr = _inv_clamped(d_sr2)
        inv_hr = _inv_clamped(d_hr2)
        inv_sh = _inv_clamped(d_sh2)

        c1 = (G_sh - G_rs - G_rh + nr2_kr) * inv_sr * inv_hr
        c2 = (G_rs - G_rh - G_sh + nh2) * inv_hr * inv_sh
        c3 = (G_rh - G_sh - G_rs + ns2r) * inv_sr * inv_sh
        coss.append((c1, c2, c3))

    contrib = jnp.zeros((1, 1), jnp.float32)
    for a in range(3):
        contrib = contrib + jnp.sum(jnp.abs(coss[1][a] - coss[0][a]),
                                    axis=(0, 1), keepdims=True)

    @pl.when((b == 0) & (j == 0))
    def _():
        out_ref[...] = jnp.zeros((1, 1), jnp.float32)

    out_ref[...] += contrib

    @pl.when((b == _B - 1) & (j == 2))
    def _():
        out_ref[...] = out_ref[...] / jnp.float32(_TOTAL)


def _angle_loss(ref_t, ref_s, sh_t, sh_s, high):
    return pl.pallas_call(
        _angle_body,
        grid=(_B, 3),
        in_specs=[
            pl.BlockSpec((_NR, _D), lambda b, j: (b, 0)),
            pl.BlockSpec((_NR, _D), lambda b, j: (b, 0)),
            pl.BlockSpec((_NR, _D), lambda b, j: (3 * b + j, 0)),
            pl.BlockSpec((_NR, _D), lambda b, j: (3 * b + j, 0)),
            pl.BlockSpec((4 * _NR, _D), lambda b, j: (b, 0)),
        ],
        out_specs=pl.BlockSpec((1, 1), lambda b, j: (0, 0)),
        out_shape=jax.ShapeDtypeStruct((1, 1), jnp.float32),
    )(ref_t, ref_s, sh_t, sh_s, high)


def kernel(teacher_feats, student_feats, ref_perm, shared_perm):
    tf = teacher_feats.reshape(_B * 8 * _P, _D)
    sf = student_feats.reshape(_B * 4 * _P, _D)
    rp = ref_perm.astype(jnp.int32)
    sp = shared_perm.astype(jnp.int32)

    rt_idx = jnp.concatenate([b * (8 * _P) + rp for b in range(_B)])
    rs_idx = jnp.concatenate([b * (4 * _P) + rp for b in range(_B)])
    sht_idx = jnp.concatenate([b * (8 * _P) + tfi * _P + sp
                               for b in range(_B) for tfi, _ in _PAIRS])
    shs_idx = jnp.concatenate([b * (4 * _P) + sfi * _P + sp
                               for b in range(_B) for _, sfi in _PAIRS])

    ref_t, ref_s = _sc_gather_rows2(tf, rt_idx, sf, rs_idx, _B * _NR)
    sh_t, sh_s = _sc_gather_rows2(tf, sht_idx, sf, shs_idx, _B * 3 * _NR)
    gidx = _sim_topk(ref_t, teacher_feats)
    high = _sc_gather_rows(tf, gidx.reshape(1024), 1024)
    loss = _angle_loss(ref_t, ref_s, sh_t, sh_s, high)
    return loss.reshape(())

# --- scband reference (transcript-rebuilt; emitter-appended) ---
"""Pipeline reference for scband-da3-cross-frame-cfangle-loss-3350074491450 (READ-ONLY COPY).

The authoritative reference and input builder live on the scoring server;
editing this copy changes nothing except your own understanding.
"""

import jax, jax.numpy as jnp
import numpy as np

STUDENT_FRAMES = [0, 2, 4, 6]
EXTRA_FRAMES = [1, 3, 5, 7]
TOPK = 4
NUM_REF = 128
NUM_SHARED = 128
CHUNK = 32
W1 = 1.0
W2 = 1.0
W3 = 1.0


def _normalize(x, eps=1e-12):
    n = jnp.linalg.norm(x, axis=-1, keepdims=True)
    return x / jnp.maximum(n, eps)


def _cos_angle(a, b):
    a_n = _normalize(a, 1e-8)
    b_n = _normalize(b, 1e-8)
    return (a_n * b_n).sum(axis=-1)


def setup_inputs(seed: int = 0) -> dict:
    key = jax.random.key(seed)
    k1, k2, k3, k4 = jax.random.split(key, 4)
    B, P, D = 2, 1024, 1024
    teacher_feats = jax.random.normal(k1, (B, 8, P, D), dtype=jnp.float32)
    student_feats = jax.random.normal(k2, (B, 4, P, D), dtype=jnp.float32)
    # torch.randperm(num_patches)[:num_ref] equivalents (no replacement)
    ref_perm = jax.random.permutation(k3, P)[:NUM_REF].astype(jnp.int32)
    shared_perm = jax.random.permutation(k4, P)[:NUM_SHARED].astype(jnp.int32)
    return {"teacher_feats": teacher_feats, "student_feats": student_feats,
            "ref_perm": ref_perm, "shared_perm": shared_perm}


def reference(teacher_feats, student_feats, ref_perm, shared_perm):
    teacher = jax.lax.stop_gradient(teacher_feats)  # teacher features are detached
    B = teacher.shape[0]
    D = teacher.shape[-1]

    # reference frame samples
    ref_t = teacher[:, STUDENT_FRAMES[0], :, :][:, ref_perm, :]          # [B, R, D]
    ref_s = student_feats[:, 0, :, :][:, ref_perm, :]                    # [B, R, D]

    # extra (teacher-only) frames -> kNN key pool
    extra_t = jnp.concatenate([teacher[:, f, :, :] for f in EXTRA_FRAMES], axis=1)  # [B, 4P, D]

    # topk selection (selection_mode='topk') via normalized dot-product similarity
    sim = jnp.einsum('brd,bed->bre', _normalize(ref_t), _normalize(extra_t))        # [B, R, 4P]
    _, gidx = jax.lax.top_k(sim, TOPK)                                              # [B, R, K]
    sim_high = jax.vmap(lambda e, i: e[i.reshape(-1)].reshape(NUM_REF, TOPK, D))(extra_t, gidx)
    sim_high = jax.lax.stop_gradient(sim_high)                                      # [B, R, K, D]

    sum1 = jnp.float32(0.0)
    sum2 = jnp.float32(0.0)
    sum3 = jnp.float32(0.0)
    total_elements = 0

    for t_idx in STUDENT_FRAMES[1:]:
        s_idx = STUDENT_FRAMES.index(t_idx)
        shared_t_full = teacher[:, t_idx, :, :][:, shared_perm, :]       # [B, S, D]
        shared_s_full = student_feats[:, s_idx, :, :][:, shared_perm, :] # [B, S, D]
        for rs in range(0, NUM_REF, CHUNK):
            re_ = min(rs + CHUNK, NUM_REF)
            rc = re_ - rs
            ref_t_4d = ref_t[:, rs:re_, :][:, :, None, None, :]          # [B, rc, 1, 1, D]
            ref_s_4d = ref_s[:, rs:re_, :][:, :, None, None, :]
            sim_high_4d = sim_high[:, rs:re_, :, :][:, :, None, :, :]    # [B, rc, 1, K, D]
            for ss in range(0, NUM_SHARED, CHUNK):
                se = min(ss + CHUNK, NUM_SHARED)
                sc = se - ss
                shared_t_4d = shared_t_full[:, ss:se, :][:, None, :, None, :]  # [B, 1, sc, 1, D]
                shared_s_4d = shared_s_full[:, ss:se, :][:, None, :, None, :]

                a1_t = _cos_angle(shared_t_4d - ref_t_4d, sim_high_4d - ref_t_4d)
                a1_s = _cos_angle(shared_s_4d - ref_s_4d, sim_high_4d - ref_s_4d)
                sum1 = sum1 + jnp.abs(a1_s - jax.lax.stop_gradient(a1_t)).sum()

                a2_t = _cos_angle(ref_t_4d - sim_high_4d, shared_t_4d - sim_high_4d)
                a2_s = _cos_angle(ref_s_4d - sim_high_4d, shared_s_4d - sim_high_4d)
                sum2 = sum2 + jnp.abs(a2_s - jax.lax.stop_gradient(a2_t)).sum()

                a3_t = _cos_angle(ref_t_4d - shared_t_4d, sim_high_4d - shared_t_4d)
                a3_s = _cos_angle(ref_s_4d - shared_s_4d, sim_high_4d - shared_s_4d)
                sum3 = sum3 + jnp.abs(a3_s - jax.lax.stop_gradient(a3_t)).sum()

                total_elements += B * rc * sc * TOPK

    loss = (W1 * sum1 + W2 * sum2 + W3 * sum3) / total_elements
    return loss

if __name__ == "__main__":
    import jax
    _d = setup_inputs()
    print(jax.jit(kernel)(*tuple(_d.values())))

</pallas_src>

<mosaic_0001>
#map = affine_map<(d0, d1) -> (0, 0)>
#map1 = affine_map<(d0, d1) -> (0)>
module attributes {stable_mosaic.version = 14 : i64} {
  func.func @k(%arg0: i32, %arg1: i32, %arg2: memref<16384x1024xf32, #tpu.memory_space<hbm>>, %arg3: memref<1024xi32, #tpu.memory_space<hbm>>, %arg4: memref<1024x1024xf32, #tpu.memory_space<hbm>>, %arg5: memref<32xi32, #tpu.memory_space<vmem>>, %arg6: memref<32x1024xf32, #tpu.memory_space<vmem>>, %arg7: memref<!tpu.dma_semaphore, #tpu.memory_space<semaphore_mem>>) attributes {dimension_semantics = [#tpu.dimension_semantics<core_parallel>, #tpu.dimension_semantics<subcore_parallel>], iteration_bounds = array<i64: 2, 16>, scalar_prefetch = 0 : i64, scratch_operands = 3 : i64, tpu.core_type = #tpu.core_type<sc_vector_subcore>, window_params = [{transform_indices = #map}, {transform_indices = #map1}, {transform_indices = #map}]} {
    %mul3A = arith.constant 2 : i32
    %mul3A_0 = arith.muli %arg1, %mul3A : i32
    %add3A = arith.addi %mul3A_0, %arg0 : i32
    %mul3A_1 = arith.constant 32 : i32
    %mul3A_2 = arith.muli %add3A, %mul3A_1 : i32
    "tpu.region"() ({
      %run_scoped3A = tpu.sem_alloc : memref<!tpu.dma_semaphore, #tpu.memory_space<semaphore_mem>>
      %dma_start3A_7 = tpu.memref_slice %arg3[%mul3A_2] : memref<1024xi32, #tpu.memory_space<hbm>> -> memref<32xi32, #tpu.memory_space<hbm>>
      %dma_start3A_8 = tpu.memref_slice %arg3[%mul3A_2] : memref<1024xi32, #tpu.memory_space<hbm>> -> memref<32xi32, #tpu.memory_space<hbm>>
      tpu.enqueue_dma source(%dma_start3A_8 : memref<32xi32, #tpu.memory_space<hbm>>) target(%arg5 : memref<32xi32, #tpu.memory_space<vmem>>) target_semaphore(%run_scoped3A : memref<!tpu.dma_semaphore, #tpu.memory_space<semaphore_mem>>)
      %dma_wait3A_9 = tpu.memref_slice %arg3[%mul3A_2] : memref<1024xi32, #tpu.memory_space<hbm>> -> memref<32xi32, #tpu.memory_space<hbm>>
      %dma_wait3A_10 = tpu.memref_slice %arg3[%mul3A_2] : memref<1024xi32, #tpu.memory_space<hbm>> -> memref<32xi32, #tpu.memory_space<hbm>>
      tpu.wait_dma2 semaphore(%run_scoped3A : memref<!tpu.dma_semaphore, #tpu.memory_space<semaphore_mem>>) src(%dma_wait3A_10 : memref<32xi32, #tpu.memory_space<hbm>>) dst(%arg5 : memref<32xi32, #tpu.memory_space<vmem>>)
      tpu.yield
    }) : () -> ()
    %dma_start3A = arith.constant 0 : i32
    %dma_start3A_3 = arith.constant 0 : i32
    %dma_start3A_4 = tpu.memref_slice %arg2[%dma_start3A, %dma_start3A_3] : memref<16384x1024xf32, #tpu.memory_space<hbm>> -> memref<16384x1024xf32, #tpu.memory_space<hbm>>
    tpu.enqueue_indirect_dma source(%dma_start3A_4 : memref<16384x1024xf32, #tpu.memory_space<hbm>>) target(%arg6 : memref<32x1024xf32, #tpu.memory_space<vmem>>) offsets(%arg5 : memref<32xi32, #tpu.memory_space<vmem>>) semaphore(%arg7 : memref<!tpu.dma_semaphore, #tpu.memory_space<semaphore_mem>>)
    %dma_wait3A = arith.constant 0 : i32
    %dma_wait3A_5 = arith.constant 0 : i32
    %dma_wait3A_6 = tpu.memref_slice %arg2[%dma_wait3A, %dma_wait3A_5] : memref<16384x1024xf32, #tpu.memory_space<hbm>> -> memref<16384x1024xf32, #tpu.memory_space<hbm>>
    tpu.wait_indirect_dma semaphore(%arg7 : memref<!tpu.dma_semaphore, #tpu.memory_space<semaphore_mem>>) src(%dma_wait3A_6 : memref<16384x1024xf32, #tpu.memory_space<hbm>>) dst(%arg6 : memref<32x1024xf32, #tpu.memory_space<vmem>>)
    "tpu.region"() ({
      %run_scoped3A = tpu.sem_alloc : memref<!tpu.dma_semaphore, #tpu.memory_space<semaphore_mem>>
      %dma_start3A_7 = arith.constant 0 : i32
      %dma_start3A_8 = tpu.memref_slice %arg4[%mul3A_2, %dma_start3A_7] : memref<1024x1024xf32, #tpu.memory_space<hbm>> -> memref<32x1024xf32, #tpu.memory_space<hbm>>
      %dma_start3A_9 = arith.constant 0 : i32
      %dma_start3A_10 = tpu.memref_slice %arg4[%mul3A_2, %dma_start3A_9] : memref<1024x1024xf32, #tpu.memory_space<hbm>> -> memref<32x1024xf32, #tpu.memory_space<hbm>>
      tpu.enqueue_dma source(%arg6 : memref<32x1024xf32, #tpu.memory_space<vmem>>) target(%dma_start3A_10 : memref<32x1024xf32, #tpu.memory_space<hbm>>) target_semaphore(%run_scoped3A : memref<!tpu.dma_semaphore, #tpu.memory_space<semaphore_mem>>)
      %dma_wait3A_11 = arith.constant 0 : i32
      %dma_wait3A_12 = tpu.memref_slice %arg4[%mul3A_2, %dma_wait3A_11] : memref<1024x1024xf32, #tpu.memory_space<hbm>> -> memref<32x1024xf32, #tpu.memory_space<hbm>>
      %dma_wait3A_13 = arith.constant 0 : i32
      %dma_wait3A_14 = tpu.memref_slice %arg4[%mul3A_2, %dma_wait3A_13] : memref<1024x1024xf32, #tpu.memory_space<hbm>> -> memref<32x1024xf32, #tpu.memory_space<hbm>>
      tpu.wait_dma2 semaphore(%run_scoped3A : memref<!tpu.dma_semaphore, #tpu.memory_space<semaphore_mem>>) src(%arg6 : memref<32x1024xf32, #tpu.memory_space<vmem>>) dst(%dma_wait3A_14 : memref<32x1024xf32, #tpu.memory_space<hbm>>)
      tpu.yield
    }) : () -> ()
    return
  }
}

#map = affine_map<(d0, d1) -> (0, 0)>
#map1 = affine_map<(d0, d1) -> (0)>
module attributes {stable_mosaic.version = 14 : i64} {
  func.func @k(%arg0: i32, %arg1: i32, %arg2: memref<16384x1024xf32, #tpu.memory_space<hbm>>, %arg3: memref<768xi32, #tpu.memory_space<hbm>>, %arg4: memref<8192x1024xf32, #tpu.memory_space<hbm>>, %arg5: memref<768xi32, #tpu.memory_space<hbm>>, %arg6: memref<768x1024xf32, #tpu.memory_space<hbm>>, %arg7: memref<768x1024xf32, #tpu.memory_space<hbm>>, %arg8: memref<24xi32, #tpu.memory_space<vmem>>, %arg9: memref<24x1024xf32, #tpu.memory_space<vmem>>, %arg10: memref<!tpu.dma_semaphore, #tpu.memory_space<semaphore_mem>>) attributes {dimension_semantics = [#tpu.dimension_semantics<core_parallel>, #tpu.dimension_semantics<subcore_parallel>], iteration_bounds = array<i64: 2, 16>, scalar_prefetch = 0 : i64, scratch_operands = 3 : i64, tpu.core_type = #tpu.core_type<sc_vector_subcore>, window_params = [{transform_indices = #map}, {transform_indices = #map1}, {transform_indices = #map}, {transform_indices = #map1}, {transform_indices = #map}, {transform_indices = #map}]} {
    %mul3A = arith.constant 2 : i32
    %mul3A_0 = arith.muli %arg1, %mul3A : i32
    %add3A = arith.addi %mul3A_0, %arg0 : i32
    %mul3A_1 = arith.constant 24 : i32
    %mul3A_2 = arith.muli %add3A, %mul3A_1 : i32
    "tpu.region"() ({
      %run_scoped3A = tpu.sem_alloc : memref<!tpu.dma_semaphore, #tpu.memory_space<semaphore_mem>>
      %dma_start3A_13 = tpu.memref_slice %arg3[%mul3A_2] : memref<768xi32, #tpu.memory_space<hbm>> -> memref<24xi32, #tpu.memory_space<hbm>>
      %dma_start3A_14 = tpu.memref_slice %arg3[%mul3A_2] : memref<768xi32, #tpu.memory_space<hbm>> -> memref<24xi32, #tpu.memory_space<hbm>>
      tpu.enqueue_dma source(%dma_start3A_14 : memref<24xi32, #tpu.memory_space<hbm>>) target(%arg8 : memref<24xi32, #tpu.memory_space<vmem>>) target_semaphore(%run_scoped3A : memref<!tpu.dma_semaphore, #tpu.memory_space<semaphore_mem>>)
      %dma_wait3A_15 = tpu.memref_slice %arg3[%mul3A_2] : memref<768xi32, #tpu.memory_space<hbm>> -> memref<24xi32, #tpu.memory_space<hbm>>
      %dma_wait3A_16 = tpu.memref_slice %arg3[%mul3A_2] : memref<768xi32, #tpu.memory_space<hbm>> -> memref<24xi32, #tpu.memory_space<hbm>>
      tpu.wait_dma2 semaphore(%run_scoped3A : memref<!tpu.dma_semaphore, #tpu.memory_space<semaphore_mem>>) src(%dma_wait3A_16 : memref<24xi32, #tpu.memory_space<hbm>>) dst(%arg8 : memref<24xi32, #tpu.memory_space<vmem>>)
      tpu.yield
    }) : () -> ()
    %dma_start3A = arith.constant 0 : i32
    %dma_start3A_3 = arith.constant 0 : i32
    %dma_start3A_4 = tpu.memref_slice %arg2[%dma_start3A, %dma_start3A_3] : memref<16384x1024xf32, #tpu.memory_space<hbm>> -> memref<16384x1024xf32, #tpu.memory_space<hbm>>
    tpu.enqueue_indirect_dma source(%dma_start3A_4 : memref<16384x1024xf32, #tpu.memory_space<hbm>>) target(%arg9 : memref<24x1024xf32, #tpu.memory_space<vmem>>) offsets(%arg8 : memref<24xi32, #tpu.memory_space<vmem>>) semaphore(%arg10 : memref<!tpu.dma_semaphore, #tpu.memory_space<semaphore_mem>>)
    %dma_wait3A = arith.constant 0 : i32
    %dma_wait3A_5 = arith.constant 0 : i32
    %dma_wait3A_6 = tpu.memref_slice %arg2[%dma_wait3A, %dma_wait3A_5] : memref<16384x1024xf32, #tpu.memory_space<hbm>> -> memref<16384x1024xf32, #tpu.memory_space<hbm>>
    tpu.wait_indirect_dma semaphore(%arg10 : memref<!tpu.dma_semaphore, #tpu.memory_space<semaphore_mem>>) src(%dma_wait3A_6 : memref<16384x1024xf32, #tpu.memory_space<hbm>>) dst(%arg9 : memref<24x1024xf32, #tpu.memory_space<vmem>>)
    "tpu.region"() ({
      %run_scoped3A = tpu.sem_alloc : memref<!tpu.dma_semaphore, #tpu.memory_space<semaphore_mem>>
      %dma_start3A_13 = arith.constant 0 : i32
      %dma_start3A_14 = tpu.memref_slice %arg6[%mul3A_2, %dma_start3A_13] : memref<768x1024xf32, #tpu.memory_space<hbm>> -> memref<24x1024xf32, #tpu.memory_space<hbm>>
      %dma_start3A_15 = arith.constant 0 : i32
      %dma_start3A_16 = tpu.memref_slice %arg6[%mul3A_2, %dma_start3A_15] : memref<768x1024xf32, #tpu.memory_space<hbm>> -> memref<24x1024xf32, #tpu.memory_space<hbm>>
      tpu.enqueue_dma source(%arg9 : memref<24x1024xf32, #tpu.memory_space<vmem>>) target(%dma_start3A_16 : memref<24x1024xf32, #tpu.memory_space<hbm>>) target_semaphore(%run_scoped3A : memref<!tpu.dma_semaphore, #tpu.memory_space<semaphore_mem>>)
      %dma_wait3A_17 = arith.constant 0 : i32
      %dma_wait3A_18 = tpu.memref_slice %arg6[%mul3A_2, %dma_wait3A_17] : memref<768x1024xf32, #tpu.memory_space<hbm>> -> memref<24x1024xf32, #tpu.memory_space<hbm>>
      %dma_wait3A_19 = arith.constant 0 : i32
      %dma_wait3A_20 = tpu.memref_slice %arg6[%mul3A_2, %dma_wait3A_19] : memref<768x1024xf32, #tpu.memory_space<hbm>> -> memref<24x1024xf32, #tpu.memory_space<hbm>>
      tpu.wait_dma2 semaphore(%run_scoped3A : memref<!tpu.dma_semaphore, #tpu.memory_space<semaphore_mem>>) src(%arg9 : memref<24x1024xf32, #tpu.memory_space<vmem>>) dst(%dma_wait3A_20 : memref<24x1024xf32, #tpu.memory_space<hbm>>)
      tpu.yield
    }) : () -> ()
    "tpu.region"() ({
      %run_scoped3A = tpu.sem_alloc : memref<!tpu.dma_semaphore, #tpu.memory_space<semaphore_mem>>
      %dma_start3A_13 = tpu.memref_slice %arg5[%mul3A_2] : memref<768xi32, #tpu.memory_space<hbm>> -> memref<24xi32, #tpu.memory_space<hbm>>
      %dma_start3A_14 = tpu.memref_slice %arg5[%mul3A_2] : memref<768xi32, #tpu.memory_space<hbm>> -> memref<24xi32, #tpu.memory_space<hbm>>
      tpu.enqueue_dma source(%dma_start3A_14 : memref<24xi32, #tpu.memory_space<hbm>>) target(%arg8 : memref<24xi32, #tpu.memory_space<vmem>>) target_semaphore(%run_scoped3A : memref<!tpu.dma_semaphore, #tpu.memory_space<semaphore_mem>>)
      %dma_wait3A_15 = tpu.memref_slice %arg5[%mul3A_2] : memref<768xi32, #tpu.memory_space<hbm>> -> memref<24xi32, #tpu.memory_space<hbm>>
      %dma_wait3A_16 = tpu.memref_slice %arg5[%mul3A_2] : memref<768xi32, #tpu.memory_space<hbm>> -> memref<24xi32, #tpu.memory_space<hbm>>
      tpu.wait_dma2 semaphore(%run_scoped3A : memref<!tpu.dma_semaphore, #tpu.memory_space<semaphore_mem>>) src(%dma_wait3A_16 : memref<24xi32, #tpu.memory_space<hbm>>) dst(%arg8 : memref<24xi32, #tpu.memory_space<vmem>>)
      tpu.yield
    }) : () -> ()
    %dma_start3A_7 = arith.constant 0 : i32
    %dma_start3A_8 = arith.constant 0 : i32
    %dma_start3A_9 = tpu.memref_slice %arg4[%dma_start3A_7, %dma_start3A_8] : memref<8192x1024xf32, #tpu.memory_space<hbm>> -> memref<8192x1024xf32, #tpu.memory_space<hbm>>
    tpu.enqueue_indirect_dma source(%dma_start3A_9 : memref<8192x1024xf32, #tpu.memory_space<hbm>>) target(%arg9 : memref<24x1024xf32, #tpu.memory_space<vmem>>) offsets(%arg8 : memref<24xi32, #tpu.memory_space<vmem>>) semaphore(%arg10 : memref<!tpu.dma_semaphore, #tpu.memory_space<semaphore_mem>>)
    %dma_wait3A_10 = arith.constant 0 : i32
    %dma_wait3A_11 = arith.constant 0 : i32
    %dma_wait3A_12 = tpu.memref_slice %arg4[%dma_wait3A_10, %dma_wait3A_11] : memref<8192x1024xf32, #tpu.memory_space<hbm>> -> memref<8192x1024xf32, #tpu.memory_space<hbm>>
    tpu.wait_indirect_dma semaphore(%arg10 : memref<!tpu.dma_semaphore, #tpu.memory_space<semaphore_mem>>) src(%dma_wait3A_12 : memref<8192x1024xf32, #tpu.memory_space<hbm>>) dst(%arg9 : memref<24x1024xf32, #tpu.memory_space<vmem>>)
    "tpu.region"() ({
      %run_scoped3A = tpu.sem_alloc : memref<!tpu.dma_semaphore, #tpu.memory_space<semaphore_mem>>
      %dma_start3A_13 = arith.constant 0 : i32
      %dma_start3A_14 = tpu.memref_slice %arg7[%mul3A_2, %dma_start3A_13] : memref<768x1024xf32, #tpu.memory_space<hbm>> -> memref<24x1024xf32, #tpu.memory_space<hbm>>
      %dma_start3A_15 = arith.constant 0 : i32
      %dma_start3A_16 = tpu.memref_slice %arg7[%mul3A_2, %dma_start3A_15] : memref<768x1024xf32, #tpu.memory_space<hbm>> -> memref<24x1024xf32, #tpu.memory_space<hbm>>
      tpu.enqueue_dma source(%arg9 : memref<24x1024xf32, #tpu.memory_space<vmem>>) target(%dma_start3A_16 : memref<24x1024xf32, #tpu.memory_space<hbm>>) target_semaphore(%run_scoped3A : memref<!tpu.dma_semaphore, #tpu.memory_space<semaphore_mem>>)
      %dma_wait3A_17 = arith.constant 0 : i32
      %dma_wait3A_18 = tpu.memref_slice %arg7[%mul3A_2, %dma_wait3A_17] : memref<768x1024xf32, #tpu.memory_space<hbm>> -> memref<24x1024xf32, #tpu.memory_space<hbm>>
      %dma_wait3A_19 = arith.constant 0 : i32
      %dma_wait3A_20 = tpu.memref_slice %arg7[%mul3A_2, %dma_wait3A_19] : memref<768x1024xf32, #tpu.memory_space<hbm>> -> memref<24x1024xf32, #tpu.memory_space<hbm>>
      tpu.wait_dma2 semaphore(%run_scoped3A : memref<!tpu.dma_semaphore, #tpu.memory_space<semaphore_mem>>) src(%arg9 : memref<24x1024xf32, #tpu.memory_space<vmem>>) dst(%dma_wait3A_20 : memref<24x1024xf32, #tpu.memory_space<hbm>>)
      tpu.yield
    }) : () -> ()
    return
  }
}

#map = affine_map<(d0, d1) -> (0, 0)>
#map1 = affine_map<(d0, d1) -> (0)>
module attributes {stable_mosaic.version = 14 : i64} {
  func.func @k(%arg0: i32, %arg1: i32, %arg2: memref<16384x1024xf32, #tpu.memory_space<hbm>>, %arg3: memref<256xi32, #tpu.memory_space<hbm>>, %arg4: memref<8192x1024xf32, #tpu.memory_space<hbm>>, %arg5: memref<256xi32, #tpu.memory_space<hbm>>, %arg6: memref<256x1024xf32, #tpu.memory_space<hbm>>, %arg7: memref<256x1024xf32, #tpu.memory_space<hbm>>, %arg8: memref<8xi32, #tpu.memory_space<vmem>>, %arg9: memref<8x1024xf32, #tpu.memory_space<vmem>>, %arg10: memref<!tpu.dma_semaphore, #tpu.memory_space<semaphore_mem>>) attributes {dimension_semantics = [#tpu.dimension_semantics<core_parallel>, #tpu.dimension_semantics<subcore_parallel>], iteration_bounds = array<i64: 2, 16>, scalar_prefetch = 0 : i64, scratch_operands = 3 : i64, tpu.core_type = #tpu.core_type<sc_vector_subcore>, window_params = [{transform_indices = #map}, {transform_indices = #map1}, {transform_indices = #map}, {transform_indices = #map1}, {transform_indices = #map}, {transform_indices = #map}]} {
    %mul3A = arith.constant 2 : i32
    %mul3A_0 = arith.muli %arg1, %mul3A : i32
    %add3A = arith.addi %mul3A_0, %arg0 : i32
    %mul3A_1 = arith.constant 8 : i32
    %mul3A_2 = arith.muli %add3A, %mul3A_1 : i32
    "tpu.region"() ({
      %run_scoped3A = tpu.sem_alloc : memref<!tpu.dma_semaphore, #tpu.memory_space<semaphore_mem>>
      %dma_start3A_13 = tpu.memref_slice %arg3[%mul3A_2] : memref<256xi32, #tpu.memory_space<hbm>> -> memref<8xi32, #tpu.memory_space<hbm>>
      %dma_start3A_14 = tpu.memref_slice %arg3[%mul3A_2] : memref<256xi32, #tpu.memory_space<hbm>> -> memref<8xi32, #tpu.memory_space<hbm>>
      tpu.enqueue_dma source(%dma_start3A_14 : memref<8xi32, #tpu.memory_space<hbm>>) target(%arg8 : memref<8xi32, #tpu.memory_space<vmem>>) target_semaphore(%run_scoped3A : memref<!tpu.dma_semaphore, #tpu.memory_space<semaphore_mem>>)
      %dma_wait3A_15 = tpu.memref_slice %arg3[%mul3A_2] : memref<256xi32, #tpu.memory_space<hbm>> -> memref<8xi32, #tpu.memory_space<hbm>>
      %dma_wait3A_16 = tpu.memref_slice %arg3[%mul3A_2] : memref<256xi32, #tpu.memory_space<hbm>> -> memref<8xi32, #tpu.memory_space<hbm>>
      tpu.wait_dma2 semaphore(%run_scoped3A : memref<!tpu.dma_semaphore, #tpu.memory_space<semaphore_mem>>) src(%dma_wait3A_16 : memref<8xi32, #tpu.memory_space<hbm>>) dst(%arg8 : memref<8xi32, #tpu.memory_space<vmem>>)
      tpu.yield
    }) : () -> ()
    %dma_start3A = arith.constant 0 : i32
    %dma_start3A_3 = arith.constant 0 : i32
    %dma_start3A_4 = tpu.memref_slice %arg2[%dma_start3A, %dma_start3A_3] : memref<16384x1024xf32, #tpu.memory_space<hbm>> -> memref<16384x1024xf32, #tpu.memory_space<hbm>>
    tpu.enqueue_indirect_dma source(%dma_start3A_4 : memref<16384x1024xf32, #tpu.memory_space<hbm>>) target(%arg9 : memref<8x1024xf32, #tpu.memory_space<vmem>>) offsets(%arg8 : memref<8xi32, #tpu.memory_space<vmem>>) semaphore(%arg10 : memref<!tpu.dma_semaphore, #tpu.memory_space<semaphore_mem>>)
    %dma_wait3A = arith.constant 0 : i32
    %dma_wait3A_5 = arith.constant 0 : i32
    %dma_wait3A_6 = tpu.memref_slice %arg2[%dma_wait3A, %dma_wait3A_5] : memref<16384x1024xf32, #tpu.memory_space<hbm>> -> memref<16384x1024xf32, #tpu.memory_space<hbm>>
    tpu.wait_indirect_dma semaphore(%arg10 : memref<!tpu.dma_semaphore, #tpu.memory_space<semaphore_mem>>) src(%dma_wait3A_6 : memref<16384x1024xf32, #tpu.memory_space<hbm>>) dst(%arg9 : memref<8x1024xf32, #tpu.memory_space<vmem>>)
    "tpu.region"() ({
      %run_scoped3A = tpu.sem_alloc : memref<!tpu.dma_semaphore, #tpu.memory_space<semaphore_mem>>
      %dma_start3A_13 = arith.constant 0 : i32
      %dma_start3A_14 = tpu.memref_slice %arg6[%mul3A_2, %dma_start3A_13] : memref<256x1024xf32, #tpu.memory_space<hbm>> -> memref<8x1024xf32, #tpu.memory_space<hbm>>
      %dma_start3A_15 = arith.constant 0 : i32
      %dma_start3A_16 = tpu.memref_slice %arg6[%mul3A_2, %dma_start3A_15] : memref<256x1024xf32, #tpu.memory_space<hbm>> -> memref<8x1024xf32, #tpu.memory_space<hbm>>
      tpu.enqueue_dma source(%arg9 : memref<8x1024xf32, #tpu.memory_space<vmem>>) target(%dma_start3A_16 : memref<8x1024xf32, #tpu.memory_space<hbm>>) target_semaphore(%run_scoped3A : memref<!tpu.dma_semaphore, #tpu.memory_space<semaphore_mem>>)
      %dma_wait3A_17 = arith.constant 0 : i32
      %dma_wait3A_18 = tpu.memref_slice %arg6[%mul3A_2, %dma_wait3A_17] : memref<256x1024xf32, #tpu.memory_space<hbm>> -> memref<8x1024xf32, #tpu.memory_space<hbm>>
      %dma_wait3A_19 = arith.constant 0 : i32
      %dma_wait3A_20 = tpu.memref_slice %arg6[%mul3A_2, %dma_wait3A_19] : memref<256x1024xf32, #tpu.memory_space<hbm>> -> memref<8x1024xf32, #tpu.memory_space<hbm>>
      tpu.wait_dma2 semaphore(%run_scoped3A : memref<!tpu.dma_semaphore, #tpu.memory_space<semaphore_mem>>) src(%arg9 : memref<8x1024xf32, #tpu.memory_space<vmem>>) dst(%dma_wait3A_20 : memref<8x1024xf32, #tpu.memory_space<hbm>>)
      tpu.yield
    }) : () -> ()
    "tpu.region"() ({
      %run_scoped3A = tpu.sem_alloc : memref<!tpu.dma_semaphore, #tpu.memory_space<semaphore_mem>>
      %dma_start3A_13 = tpu.memref_slice %arg5[%mul3A_2] : memref<256xi32, #tpu.memory_space<hbm>> -> memref<8xi32, #tpu.memory_space<hbm>>
      %dma_start3A_14 = tpu.memref_slice %arg5[%mul3A_2] : memref<256xi32, #tpu.memory_space<hbm>> -> memref<8xi32, #tpu.memory_space<hbm>>
      tpu.enqueue_dma source(%dma_start3A_14 : memref<8xi32, #tpu.memory_space<hbm>>) target(%arg8 : memref<8xi32, #tpu.memory_space<vmem>>) target_semaphore(%run_scoped3A : memref<!tpu.dma_semaphore, #tpu.memory_space<semaphore_mem>>)
      %dma_wait3A_15 = tpu.memref_slice %arg5[%mul3A_2] : memref<256xi32, #tpu.memory_space<hbm>> -> memref<8xi32, #tpu.memory_space<hbm>>
      %dma_wait3A_16 = tpu.memref_slice %arg5[%mul3A_2] : memref<256xi32, #tpu.memory_space<hbm>> -> memref<8xi32, #tpu.memory_space<hbm>>
      tpu.wait_dma2 semaphore(%run_scoped3A : memref<!tpu.dma_semaphore, #tpu.memory_space<semaphore_mem>>) src(%dma_wait3A_16 : memref<8xi32, #tpu.memory_space<hbm>>) dst(%arg8 : memref<8xi32, #tpu.memory_space<vmem>>)
      tpu.yield
    }) : () -> ()
    %dma_start3A_7 = arith.constant 0 : i32
    %dma_start3A_8 = arith.constant 0 : i32
    %dma_start3A_9 = tpu.memref_slice %arg4[%dma_start3A_7, %dma_start3A_8] : memref<8192x1024xf32, #tpu.memory_space<hbm>> -> memref<8192x1024xf32, #tpu.memory_space<hbm>>
    tpu.enqueue_indirect_dma source(%dma_start3A_9 : memref<8192x1024xf32, #tpu.memory_space<hbm>>) target(%arg9 : memref<8x1024xf32, #tpu.memory_space<vmem>>) offsets(%arg8 : memref<8xi32, #tpu.memory_space<vmem>>) semaphore(%arg10 : memref<!tpu.dma_semaphore, #tpu.memory_space<semaphore_mem>>)
    %dma_wait3A_10 = arith.constant 0 : i32
    %dma_wait3A_11 = arith.constant 0 : i32
    %dma_wait3A_12 = tpu.memref_slice %arg4[%dma_wait3A_10, %dma_wait3A_11] : memref<8192x1024xf32, #tpu.memory_space<hbm>> -> memref<8192x1024xf32, #tpu.memory_space<hbm>>
    tpu.wait_indirect_dma semaphore(%arg10 : memref<!tpu.dma_semaphore, #tpu.memory_space<semaphore_mem>>) src(%dma_wait3A_12 : memref<8192x1024xf32, #tpu.memory_space<hbm>>) dst(%arg9 : memref<8x1024xf32, #tpu.memory_space<vmem>>)
    "tpu.region"() ({
      %run_scoped3A = tpu.sem_alloc : memref<!tpu.dma_semaphore, #tpu.memory_space<semaphore_mem>>
      %dma_start3A_13 = arith.constant 0 : i32
      %dma_start3A_14 = tpu.memref_slice %arg7[%mul3A_2, %dma_start3A_13] : memref<256x1024xf32, #tpu.memory_space<hbm>> -> memref<8x1024xf32, #tpu.memory_space<hbm>>
      %dma_start3A_15 = arith.constant 0 : i32
      %dma_start3A_16 = tpu.memref_slice %arg7[%mul3A_2, %dma_start3A_15] : memref<256x1024xf32, #tpu.memory_space<hbm>> -> memref<8x1024xf32, #tpu.memory_space<hbm>>
      tpu.enqueue_dma source(%arg9 : memref<8x1024xf32, #tpu.memory_space<vmem>>) target(%dma_start3A_16 : memref<8x1024xf32, #tpu.memory_space<hbm>>) target_semaphore(%run_scoped3A : memref<!tpu.dma_semaphore, #tpu.memory_space<semaphore_mem>>)
      %dma_wait3A_17 = arith.constant 0 : i32
      %dma_wait3A_18 = tpu.memref_slice %arg7[%mul3A_2, %dma_wait3A_17] : memref<256x1024xf32, #tpu.memory_space<hbm>> -> memref<8x1024xf32, #tpu.memory_space<hbm>>
      %dma_wait3A_19 = arith.constant 0 : i32
      %dma_wait3A_20 = tpu.memref_slice %arg7[%mul3A_2, %dma_wait3A_19] : memref<256x1024xf32, #tpu.memory_space<hbm>> -> memref<8x1024xf32, #tpu.memory_space<hbm>>
      tpu.wait_dma2 semaphore(%run_scoped3A : memref<!tpu.dma_semaphore, #tpu.memory_space<semaphore_mem>>) src(%arg9 : memref<8x1024xf32, #tpu.memory_space<vmem>>) dst(%dma_wait3A_20 : memref<8x1024xf32, #tpu.memory_space<hbm>>)
      tpu.yield
    }) : () -> ()
    return
  }
}

module attributes {stable_mosaic.version = 14 : i64} {
  func.func @_sim_topk_body(%arg0: i32, %arg1: i32, %arg2: memref<128x1024xf32, #tpu.memory_space<vmem>>, %arg3: memref<1x1x1024x1024xf32, #tpu.memory_space<vmem>>, %arg4: memref<1x4x128xi32, #tpu.memory_space<vmem>>, %arg5: memref<4x1024x128xf32, #tpu.memory_space<vmem>>) attributes {dimension_semantics = [#tpu.dimension_semantics<arbitrary>, #tpu.dimension_semantics<arbitrary>], iteration_bounds = array<i64: 2, 4>, scalar_prefetch = 0 : i64, scratch_operands = 1 : i64, tpu.core_type = #tpu.core_type<tc>, window_params = [{transform_indices = @transform_0, window_bounds = array<i64: 128, 1024>}, {transform_indices = @transform_1, window_bounds = array<i64: 1, 1, 1024, 1024>}, {transform_indices = @transform_2, window_bounds = array<i64: 1, 4, 128>}]} {
    %get3A = arith.constant 0 : index
    %get3A_0 = arith.constant 0 : index
    %get3A_1 = arith.constant 0 : index
    %get3A_2 = arith.constant 0 : index
    %get3A_3 = vector.load %arg3[%get3A, %get3A_0, %get3A_1, %get3A_2] : memref<1x1x1024x1024xf32, #tpu.memory_space<vmem>>, vector<1x1x1024x1024xf32>
    %get3A_4 = vector.shape_cast %get3A_3 : vector<1x1x1024x1024xf32> to vector<1024x1024xf32>
    %get3A_5 = arith.constant 0 : index
    %get3A_6 = arith.constant 0 : index
    %get3A_7 = vector.load %arg2[%get3A_5, %get3A_6] : memref<128x1024xf32, #tpu.memory_space<vmem>>, vector<128x1024xf32>
    %mul3A = arith.mulf %get3A_7, %get3A_7 : vector<128x1024xf32>
    %reduce_sum3A = arith.constant dense<0.000000e+00> : vector<128xf32>
    %reduce_sum3A_8 = vector.multi_reduction <add>, %mul3A, %reduce_sum3A [1] : vector<128x1024xf32> to vector<128xf32>
    %broadcast_in_dim3A = vector.shape_cast %reduce_sum3A_8 : vector<128xf32> to vector<128x1xf32>
    %gt3A = arith.constant 1.000000e-24 : f32
    %gt3A_9 = vector.broadcast %gt3A : f32 to vector<128x1xf32>
    %gt3A_10 = arith.cmpf ogt, %broadcast_in_dim3A, %gt3A_9 : vector<128x1xf32>
    %max3A = arith.constant 1.000000e-30 : f32
    %max3A_11 = vector.broadcast %max3A : f32 to vector<128x1xf32>
    %max3A_12 = arith.maximumf %broadcast_in_dim3A, %max3A_11 : vector<128x1xf32>
    %rsqrt3A = math.rsqrt %max3A_12 : vector<128x1xf32>
    %jit3A = arith.constant 9.99999995E+11 : f32
    %broadcast_in_dim3A_13 = vector.broadcast %jit3A : f32 to vector<128x1xf32>
    %select_n3A = arith.select %gt3A_10, %rsqrt3A, %broadcast_in_dim3A_13 : vector<128x1xi1>, vector<128x1xf32>
    %mul3A_14 = vector.broadcast %select_n3A : vector<128x1xf32> to vector<128x1024xf32>
    %mul3A_15 = arith.mulf %get3A_7, %mul3A_14 : vector<128x1024xf32>
    %dot_general3A = arith.constant dense<0.000000e+00> : vector<1024x128xf32>
    %dot_general3A_16 = tpu.matmul %get3A_4, %mul3A_15, %dot_general3A {dimension_numbers = #tpu.dot_dimension_numbers<[1], [1], [0], [0], [0, 0, 1, 0], [], []>, transpose_lhs_hint = false} : vector<1024x1024xf32>, vector<128x1024xf32>, vector<1024x128xf32> -> vector<1024x128xf32>
    %mul3A_17 = arith.mulf %get3A_4, %get3A_4 : vector<1024x1024xf32>
    %slice3A = vector.extract_strided_slice %mul3A_17 {offsets = [0, 0], sizes = [1024, 512], strides = [1, 1]} : vector<1024x1024xf32> to vector<1024x512xf32>
    %slice3A_18 = vector.extract_strided_slice %mul3A_17 {offsets = [0, 512], sizes = [1024, 512], strides = [1, 1]} : vector<1024x1024xf32> to vector<1024x512xf32>
    %add3A = arith.addf %slice3A, %slice3A_18 : vector<1024x512xf32>
    %slice3A_19 = vector.extract_strided_slice %add3A {offsets = [0, 0], sizes = [1024, 256], strides = [1, 1]} : vector<1024x512xf32> to vector<1024x256xf32>
    %slice3A_20 = vector.extract_strided_slice %add3A {offsets = [0, 256], sizes = [1024, 256], strides = [1, 1]} : vector<1024x512xf32> to vector<1024x256xf32>
    %add3A_21 = arith.addf %slice3A_19, %slice3A_20 : vector<1024x256xf32>
    %slice3A_22 = vector.extract_strided_slice %add3A_21 {offsets = [0, 0], sizes = [1024, 128], strides = [1, 1]} : vector<1024x256xf32> to vector<1024x128xf32>
    %slice3A_23 = vector.extract_strided_slice %add3A_21 {offsets = [0, 128], sizes = [1024, 128], strides = [1, 1]} : vector<1024x256xf32> to vector<1024x128xf32>
    %add3A_24 = arith.addf %slice3A_22, %slice3A_23 : vector<1024x128xf32>
    %reduce_sum3A_25 = arith.constant dense<0.000000e+00> : vector<1024xf32>
    %reduce_sum3A_26 = vector.multi_reduction <add>, %add3A_24, %reduce_sum3A_25 [1] : vector<1024x128xf32> to vector<1024xf32>
    %broadcast_in_dim3A_27 = vector.shape_cast %reduce_sum3A_26 : vector<1024xf32> to vector<1024x1xf32>
    %gt3A_28 = arith.constant 1.000000e-24 : f32
    %gt3A_29 = vector.broadcast %gt3A_28 : f32 to vector<1024x1xf32>
    %gt3A_30 = arith.cmpf ogt, %broadcast_in_dim3A_27, %gt3A_29 : vector<1024x1xf32>
    %max3A_31 = arith.constant 1.000000e-30 : f32
    %max3A_32 = vector.broadcast %max3A_31 : f32 to vector<1024x1xf32>
    %max3A_33 = arith.maximumf %broadcast_in_dim3A_27, %max3A_32 : vector<1024x1xf32>
    %rsqrt3A_34 = math.rsqrt %max3A_33 : vector<1024x1xf32>
    %jit3A_35 = arith.constant 9.99999995E+11 : f32
    %broadcast_in_dim3A_36 = vector.broadcast %jit3A_35 : f32 to vector<1024x1xf32>
    %select_n3A_37 = arith.select %gt3A_30, %rsqrt3A_34, %broadcast_in_dim3A_36 : vector<1024x1xi1>, vector<1024x1xf32>
    %mul3A_38 = vector.broadcast %select_n3A_37 : vector<1024x1xf32> to vector<1024x128xf32>
    %mul3A_39 = arith.mulf %dot_general3A_16, %mul3A_38 : vector<1024x128xf32>
    %swap3A = arith.index_cast %arg1 : i32 to index
    %swap3A_40 = arith.constant 0 : index
    %swap3A_41 = arith.constant 0 : index
    %swap3A_42 = vector.load %arg5[%swap3A, %swap3A_40, %swap3A_41] : memref<4x1024x128xf32, #tpu.memory_space<vmem>>, vector<1x1024x128xf32>
    %swap3A_43 = vector.shape_cast %swap3A_42 : vector<1x1024x128xf32> to vector<1024x128xf32>
    %swap3A_44 = vector.shape_cast %mul3A_39 : vector<1024x128xf32> to vector<1x1024x128xf32>
    tpu.vector_store %arg5[%swap3A, %swap3A_40, %swap3A_41], %swap3A_44 {strides = array<i32>} : memref<4x1024x128xf32, #tpu.memory_space<vmem>>, vector<1x1024x128xf32>,
    %eq3A = arith.constant 3 : i32
    %eq3A_45 = arith.cmpi eq, %arg1, %eq3A : i32
    %convert_element_type3A = arith.extui %eq3A_45 : i1 to i32
    %cond3A = arith.constant 0 : i32
    %cond3A_46 = arith.cmpi ne, %convert_element_type3A, %cond3A : i32
    scf.if %cond3A_46 {
      %get3A_47 = arith.constant 0 : index
      %get3A_48 = arith.constant 0 : index
      %get3A_49 = arith.constant 0 : index
      %get3A_50 = vector.load %arg5[%get3A_47, %get3A_48, %get3A_49] : memref<4x1024x128xf32, #tpu.memory_space<vmem>>, vector<4x1024x128xf32>
      %reshape3A = vector.shape_cast %get3A_50 : vector<4x1024x128xf32> to vector<4096x128xf32>
      %iota3A = tpu.iota {dimensions = array<i32: 0>} : vector<4096x128xi32>
      %reduce_max3A = arith.constant dense<0xFF800000> : vector<128xf32>
      %reduce_max3A_51 = vector.multi_reduction <maximumf>, %reshape3A, %reduce_max3A [0] : vector<4096x128xf32> to vector<128xf32>
      %broadcast_in_dim3A_52 = vector.shape_cast %reduce_max3A_51 : vector<128xf32> to vector<1x128xf32>
      %eq3A_53 = vector.broadcast %broadcast_in_dim3A_52 : vector<1x128xf32> to vector<4096x128xf32>
      %eq3A_54 = arith.cmpf oeq, %reshape3A, %eq3A_53 : vector<4096x128xf32>
      %jit3A_55 = arith.constant 4096 : i32
      %broadcast_in_dim3A_56 = vector.broadcast %jit3A_55 : i32 to vector<4096x128xi32>
      %select_n3A_57 = arith.select %eq3A_54, %iota3A, %broadcast_in_dim3A_56 : vector<4096x128xi1>, vector<4096x128xi32>
      %reduce_min3A = arith.constant dense<2147483647> : vector<128xi32>
      %reduce_min3A_58 = vector.multi_reduction <minsi>, %select_n3A_57, %reduce_min3A [0] : vector<4096x128xi32> to vector<128xi32>
      %broadcast_in_dim3A_59 = vector.shape_cast %reduce_min3A_58 : vector<128xi32> to vector<1x128xi32>
      %jit3A_60 = arith.constant 1024 : i32
      %div3A = vector.broadcast %jit3A_60 : i32 to vector<1x128xi32>
      %div3A_61 = arith.divsi %broadcast_in_dim3A_59, %div3A : vector<1x128xi32>
      %sign3A = arith.constant 0 : i32
      %sign3A_62 = vector.broadcast %sign3A : i32 to vector<1x128xi32>
      %sign3A_63 = arith.cmpi sgt, %broadcast_in_dim3A_59, %sign3A_62 : vector<1x128xi32>
      %sign3A_64 = arith.extui %sign3A_63 : vector<1x128xi1> to vector<1x128xi32>
      %sign3A_65 = arith.constant 0 : i32
      %sign3A_66 = vector.broadcast %sign3A_65 : i32 to vector<1x128xi32>
      %sign3A_67 = arith.cmpi slt, %broadcast_in_dim3A_59, %sign3A_66 : vector<1x128xi32>
      %sign3A_68 = arith.extui %sign3A_67 : vector<1x128xi1> to vector<1x128xi32>
      %sign3A_69 = arith.subi %sign3A_64, %sign3A_68 : vector<1x128xi32>
      %sign3A_70 = arith.constant 0 : i32
      %sign3A_71 = arith.cmpi sgt, %jit3A_60, %sign3A_70 : i32
      %sign3A_72 = arith.extui %sign3A_71 : i1 to i32
      %sign3A_73 = arith.constant 0 : i32
      %sign3A_74 = arith.cmpi slt, %jit3A_60, %sign3A_73 : i32
      %sign3A_75 = arith.extui %sign3A_74 : i1 to i32
      %sign3A_76 = arith.subi %sign3A_72, %sign3A_75 : i32
      %ne3A = vector.broadcast %sign3A_76 : i32 to vector<1x128xi32>
      %ne3A_77 = arith.cmpi ne, %sign3A_69, %ne3A : vector<1x128xi32>
      %rem3A = vector.broadcast %jit3A_60 : i32 to vector<1x128xi32>
      %rem3A_78 = arith.remsi %broadcast_in_dim3A_59, %rem3A : vector<1x128xi32>
      %ne3A_79 = arith.constant 0 : i32
      %ne3A_80 = vector.broadcast %ne3A_79 : i32 to vector<1x128xi32>
      %ne3A_81 = arith.cmpi ne, %rem3A_78, %ne3A_80 : vector<1x128xi32>
      %and3A = arith.andi %ne3A_77, %ne3A_81 : vector<1x128xi1>
      %sub3A = arith.constant 1 : i32
      %sub3A_82 = vector.broadcast %sub3A : i32 to vector<1x128xi32>
      %sub3A_83 = arith.subi %div3A_61, %sub3A_82 : vector<1x128xi32>
      %select_n3A_84 = arith.select %and3A, %sub3A_83, %div3A_61 : vector<1x128xi1>, vector<1x128xi32>
      %mul3A_85 = arith.constant 1024 : i32
      %mul3A_86 = vector.broadcast %mul3A_85 : i32 to vector<1x128xi32>
      %mul3A_87 = arith.muli %select_n3A_84, %mul3A_86 : vector<1x128xi32>
      %sub3A_88 = arith.subi %broadcast_in_dim3A_59, %mul3A_87 : vector<1x128xi32>
      %mul3A_89 = arith.constant 8192 : i32
      %mul3A_90 = arith.muli %arg0, %mul3A_89 : i32
      %mul3A_91 = arith.constant 2048 : i32
      %mul3A_92 = vector.broadcast %mul3A_91 : i32 to vector<1x128xi32>
      %mul3A_93 = arith.muli %select_n3A_84, %mul3A_92 : vector<1x128xi32>
      %add3A_94 = vector.broadcast %mul3A_90 : i32 to vector<1x128xi32>
      %add3A_95 = arith.addi %add3A_94, %mul3A_93 : vector<1x128xi32>
      %add3A_96 = arith.constant 1024 : i32
      %add3A_97 = vector.broadcast %add3A_96 : i32 to vector<1x128xi32>
      %add3A_98 = arith.addi %add3A_95, %add3A_97 : vector<1x128xi32>
      %add3A_99 = arith.addi %add3A_98, %sub3A_88 : vector<1x128xi32>
      %eq3A_100 = vector.broadcast %broadcast_in_dim3A_59 : vector<1x128xi32> to vector<4096x128xi32>
      %eq3A_101 = arith.cmpi eq, %iota3A, %eq3A_100 : vector<4096x128xi32>
      %jit3A_102 = arith.constant 0xFF800000 : f32
      %broadcast_in_dim3A_103 = vector.broadcast %jit3A_102 : f32 to vector<4096x128xf32>
      %select_n3A_104 = arith.select %eq3A_101, %broadcast_in_dim3A_103, %reshape3A : vector<4096x128xi1>, vector<4096x128xf32>
      %reduce_max3A_105 = arith.constant dense<0xFF800000> : vector<128xf32>
      %reduce_max3A_106 = vector.multi_reduction <maximumf>, %select_n3A_104, %reduce_max3A_105 [0] : vector<4096x128xf32> to vector<128xf32>
      %broadcast_in_dim3A_107 = vector.shape_cast %reduce_max3A_106 : vector<128xf32> to vector<1x128xf32>
      %eq3A_108 = vector.broadcast %broadcast_in_dim3A_107 : vector<1x128xf32> to vector<4096x128xf32>
      %eq3A_109 = arith.cmpf oeq, %select_n3A_104, %eq3A_108 : vector<4096x128xf32>
      %jit3A_110 = arith.constant 4096 : i32
      %broadcast_in_dim3A_111 = vector.broadcast %jit3A_110 : i32 to vector<4096x128xi32>
      %select_n3A_112 = arith.select %eq3A_109, %iota3A, %broadcast_in_dim3A_111 : vector<4096x128xi1>, vector<4096x128xi32>
      %reduce_min3A_113 = arith.constant dense<2147483647> : vector<128xi32>
      %reduce_min3A_114 = vector.multi_reduction <minsi>, %select_n3A_112, %reduce_min3A_113 [0] : vector<4096x128xi32> to vector<128xi32>
      %broadcast_in_dim3A_115 = vector.shape_cast %reduce_min3A_114 : vector<128xi32> to vector<1x128xi32>
      %jit3A_116 = arith.constant 1024 : i32
      %div3A_117 = vector.broadcast %jit3A_116 : i32 to vector<1x128xi32>
      %div3A_118 = arith.divsi %broadcast_in_dim3A_115, %div3A_117 : vector<1x128xi32>
      %sign3A_119 = arith.constant 0 : i32
      %sign3A_120 = vector.broadcast %sign3A_119 : i32 to vector<1x128xi32>
      %sign3A_121 = arith.cmpi sgt, %broadcast_in_dim3A_115, %sign3A_120 : vector<1x128xi32>
      %sign3A_122 = arith.extui %sign3A_121 : vector<1x128xi1> to vector<1x128xi32>
      %sign3A_123 = arith.constant 0 : i32
      %sign3A_124 = vector.broadcast %sign3A_123 : i32 to vector<1x128xi32>
      %sign3A_125 = arith.cmpi slt, %broadcast_in_dim3A_115, %sign3A_124 : vector<1x128xi32>
      %sign3A_126 = arith.extui %sign3A_125 : vector<1x128xi1> to vector<1x128xi32>
      %sign3A_127 = arith.subi %sign3A_122, %sign3A_126 : vector<1x128xi32>
      %sign3A_128 = arith.constant 0 : i32
      %sign3A_129 = arith.cmpi sgt, %jit3A_116, %sign3A_128 : i32
      %sign3A_130 = arith.extui %sign3A_129 : i1 to i32
      %sign3A_131 = arith.constant 0 : i32
      %sign3A_132 = arith.cmpi slt, %jit3A_116, %sign3A_131 : i32
      %sign3A_133 = arith.extui %sign3A_132 : i1 to i32
      %sign3A_134 = arith.subi %sign3A_130, %sign3A_133 : i32
      %ne3A_135 = vector.broadcast %sign3A_134 : i32 to vector<1x128xi32>
      %ne3A_136 = arith.cmpi ne, %sign3A_127, %ne3A_135 : vector<1x128xi32>
      %rem3A_137 = vector.broadcast %jit3A_116 : i32 to vector<1x128xi32>
      %rem3A_138 = arith.remsi %broadcast_in_dim3A_115, %rem3A_137 : vector<1x128xi32>
      %ne3A_139 = arith.constant 0 : i32
      %ne3A_140 = vector.broadcast %ne3A_139 : i32 to vector<1x128xi32>
      %ne3A_141 = arith.cmpi ne, %rem3A_138, %ne3A_140 : vector<1x128xi32>
      %and3A_142 = arith.andi %ne3A_136, %ne3A_141 : vector<1x128xi1>
      %sub3A_143 = arith.constant 1 : i32
      %sub3A_144 = vector.broadcast %sub3A_143 : i32 to vector<1x128xi32>
      %sub3A_145 = arith.subi %div3A_118, %sub3A_144 : vector<1x128xi32>
      %select_n3A_146 = arith.select %and3A_142, %sub3A_145, %div3A_118 : vector<1x128xi1>, vector<1x128xi32>
      %mul3A_147 = arith.constant 1024 : i32
      %mul3A_148 = vector.broadcast %mul3A_147 : i32 to vector<1x128xi32>
      %mul3A_149 = arith.muli %select_n3A_146, %mul3A_148 : vector<1x128xi32>
      %sub3A_150 = arith.subi %broadcast_in_dim3A_115, %mul3A_149 : vector<1x128xi32>
      %mul3A_151 = arith.constant 8192 : i32
      %mul3A_152 = arith.muli %arg0, %mul3A_151 : i32
      %mul3A_153 = arith.constant 2048 : i32
      %mul3A_154 = vector.broadcast %mul3A_153 : i32 to vector<1x128xi32>
      %mul3A_155 = arith.muli %select_n3A_146, %mul3A_154 : vector<1x128xi32>
      %add3A_156 = vector.broadcast %mul3A_152 : i32 to vector<1x128xi32>
      %add3A_157 = arith.addi %add3A_156, %mul3A_155 : vector<1x128xi32>
      %add3A_158 = arith.constant 1024 : i32
      %add3A_159 = vector.broadcast %add3A_158 : i32 to vector<1x128xi32>
      %add3A_160 = arith.addi %add3A_157, %add3A_159 : vector<1x128xi32>
      %add3A_161 = arith.addi %add3A_160, %sub3A_150 : vector<1x128xi32>
      %eq3A_162 = vector.broadcast %broadcast_in_dim3A_115 : vector<1x128xi32> to vector<4096x128xi32>
      %eq3A_163 = arith.cmpi eq, %iota3A, %eq3A_162 : vector<4096x128xi32>
      %jit3A_164 = arith.constant 0xFF800000 : f32
      %broadcast_in_dim3A_165 = vector.broadcast %jit3A_164 : f32 to vector<4096x128xf32>
      %select_n3A_166 = arith.select %eq3A_163, %broadcast_in_dim3A_165, %select_n3A_104 : vector<4096x128xi1>, vector<4096x128xf32>
      %reduce_max3A_167 = arith.constant dense<0xFF800000> : vector<128xf32>
      %reduce_max3A_168 = vector.multi_reduction <maximumf>, %select_n3A_166, %reduce_max3A_167 [0] : vector<4096x128xf32> to vector<128xf32>
      %broadcast_in_dim3A_169 = vector.shape_cast %reduce_max3A_168 : vector<128xf32> to vector<1x128xf32>
      %eq3A_170 = vector.broadcast %broadcast_in_dim3A_169 : vector<1x128xf32> to vector<4096x128xf32>
      %eq3A_171 = arith.cmpf oeq, %select_n3A_166, %eq3A_170 : vector<4096x128xf32>
      %jit3A_172 = arith.constant 4096 : i32
      %broadcast_in_dim3A_173 = vector.broadcast %jit3A_172 : i32 to vector<4096x128xi32>
      %select_n3A_174 = arith.select %eq3A_171, %iota3A, %broadcast_in_dim3A_173 : vector<4096x128xi1>, vector<4096x128xi32>
      %reduce_min3A_175 = arith.constant dense<2147483647> : vector<128xi32>
      %reduce_min3A_176 = vector.multi_reduction <minsi>, %select_n3A_174, %reduce_min3A_175 [0] : vector<4096x128xi32> to vector<128xi32>
      %broadcast_in_dim3A_177 = vector.shape_cast %reduce_min3A_176 : vector<128xi32> to vector<1x128xi32>
      %jit3A_178 = arith.constant 1024 : i32
      %div3A_179 = vector.broadcast %jit3A_178 : i32 to vector<1x128xi32>
      %div3A_180 = arith.divsi %broadcast_in_dim3A_177, %div3A_179 : vector<1x128xi32>
      %sign3A_181 = arith.constant 0 : i32
      %sign3A_182 = vector.broadcast %sign3A_181 : i32 to vector<1x128xi32>
      %sign3A_183 = arith.cmpi sgt, %broadcast_in_dim3A_177, %sign3A_182 : vector<1x128xi32>
      %sign3A_184 = arith.extui %sign3A_183 : vector<1x128xi1> to vector<1x128xi32>
      %sign3A_185 = arith.constant 0 : i32
      %sign3A_186 = vector.broadcast %sign3A_185 : i32 to vector<1x128xi32>
      %sign3A_187 = arith.cmpi slt, %broadcast_in_dim3A_177, %sign3A_186 : vector<1x128xi32>
      %sign3A_188 = arith.extui %sign3A_187 : vector<1x128xi1> to vector<1x128xi32>
      %sign3A_189 = arith.subi %sign3A_184, %sign3A_188 : vector<1x128xi32>
      %sign3A_190 = arith.constant 0 : i32
      %sign3A_191 = arith.cmpi sgt, %jit3A_178, %sign3A_190 : i32
      %sign3A_192 = arith.extui %sign3A_191 : i1 to i32
      %sign3A_193 = arith.constant 0 : i32
      %sign3A_194 = arith.cmpi slt, %jit3A_178, %sign3A_193 : i32
      %sign3A_195 = arith.extui %sign3A_194 : i1 to i32
      %sign3A_196 = arith.subi %sign3A_192, %sign3A_195 : i32
      %ne3A_197 = vector.broadcast %sign3A_196 : i32 to vector<1x128xi32>
      %ne3A_198 = arith.cmpi ne, %sign3A_189, %ne3A_197 : vector<1x128xi32>
      %rem3A_199 = vector.broadcast %jit3A_178 : i32 to vector<1x128xi32>
      %rem3A_200 = arith.remsi %broadcast_in_dim3A_177, %rem3A_199 : vector<1x128xi32>
      %ne3A_201 = arith.constant 0 : i32
      %ne3A_202 = vector.broadcast %ne3A_201 : i32 to vector<1x128xi32>
      %ne3A_203 = arith.cmpi ne, %rem3A_200, %ne3A_202 : vector<1x128xi32>
      %and3A_204 = arith.andi %ne3A_198, %ne3A_203 : vector<1x128xi1>
      %sub3A_205 = arith.constant 1 : i32
      %sub3A_206 = vector.broadcast %sub3A_205 : i32 to vector<1x128xi32>
      %sub3A_207 = arith.subi %div3A_180, %sub3A_206 : vector<1x128xi32>
      %select_n3A_208 = arith.select %and3A_204, %sub3A_207, %div3A_180 : vector<1x128xi1>, vector<1x128xi32>
      %mul3A_209 = arith.constant 1024 : i32
      %mul3A_210 = vector.broadcast %mul3A_209 : i32 to vector<1x128xi32>
      %mul3A_211 = arith.muli %select_n3A_208, %mul3A_210 : vector<1x128xi32>
      %sub3A_212 = arith.subi %broadcast_in_dim3A_177, %mul3A_211 : vector<1x128xi32>
      %mul3A_213 = arith.constant 8192 : i32
      %mul3A_214 = arith.muli %arg0, %mul3A_213 : i32
      %mul3A_215 = arith.constant 2048 : i32
      %mul3A_216 = vector.broadcast %mul3A_215 : i32 to vector<1x128xi32>
      %mul3A_217 = arith.muli %select_n3A_208, %mul3A_216 : vector<1x128xi32>
      %add3A_218 = vector.broadcast %mul3A_214 : i32 to vector<1x128xi32>
      %add3A_219 = arith.addi %add3A_218, %mul3A_217 : vector<1x128xi32>
      %add3A_220 = arith.constant 1024 : i32
      %add3A_221 = vector.broadcast %add3A_220 : i32 to vector<1x128xi32>
      %add3A_222 = arith.addi %add3A_219, %add3A_221 : vector<1x128xi32>
      %add3A_223 = arith.addi %add3A_222, %sub3A_212 : vector<1x128xi32>
      %eq3A_224 = vector.broadcast %broadcast_in_dim3A_177 : vector<1x128xi32> to vector<4096x128xi32>
      %eq3A_225 = arith.cmpi eq, %iota3A, %eq3A_224 : vector<4096x128xi32>
      %jit3A_226 = arith.constant 0xFF800000 : f32
      %broadcast_in_dim3A_227 = vector.broadcast %jit3A_226 : f32 to vector<4096x128xf32>
      %select_n3A_228 = arith.select %eq3A_225, %broadcast_in_dim3A_227, %select_n3A_166 : vector<4096x128xi1>, vector<4096x128xf32>
      %reduce_max3A_229 = arith.constant dense<0xFF800000> : vector<128xf32>
      %reduce_max3A_230 = vector.multi_reduction <maximumf>, %select_n3A_228, %reduce_max3A_229 [0] : vector<4096x128xf32> to vector<128xf32>
      %broadcast_in_dim3A_231 = vector.shape_cast %reduce_max3A_230 : vector<128xf32> to vector<1x128xf32>
      %eq3A_232 = vector.broadcast %broadcast_in_dim3A_231 : vector<1x128xf32> to vector<4096x128xf32>
      %eq3A_233 = arith.cmpf oeq, %select_n3A_228, %eq3A_232 : vector<4096x128xf32>
      %jit3A_234 = arith.constant 4096 : i32
      %broadcast_in_dim3A_235 = vector.broadcast %jit3A_234 : i32 to vector<4096x128xi32>
      %select_n3A_236 = arith.select %eq3A_233, %iota3A, %broadcast_in_dim3A_235 : vector<4096x128xi1>, vector<4096x128xi32>
      %reduce_min3A_237 = arith.constant dense<2147483647> : vector<128xi32>
      %reduce_min3A_238 = vector.multi_reduction <minsi>, %select_n3A_236, %reduce_min3A_237 [0] : vector<4096x128xi32> to vector<128xi32>
      %broadcast_in_dim3A_239 = vector.shape_cast %reduce_min3A_238 : vector<128xi32> to vector<1x128xi32>
      %jit3A_240 = arith.constant 1024 : i32
      %div3A_241 = vector.broadcast %jit3A_240 : i32 to vector<1x128xi32>
      %div3A_242 = arith.divsi %broadcast_in_dim3A_239, %div3A_241 : vector<1x128xi32>
      %sign3A_243 = arith.constant 0 : i32
      %sign3A_244 = vector.broadcast %sign3A_243 : i32 to vector<1x128xi32>
      %sign3A_245 = arith.cmpi sgt, %broadcast_in_dim3A_239, %sign3A_244 : vector<1x128xi32>
      %sign3A_246 = arith.extui %sign3A_245 : vector<1x128xi1> to vector<1x128xi32>
      %sign3A_247 = arith.constant 0 : i32
      %sign3A_248 = vector.broadcast %sign3A_247 : i32 to vector<1x128xi32>
      %sign3A_249 = arith.cmpi slt, %broadcast_in_dim3A_239, %sign3A_248 : vector<1x128xi32>
      %sign3A_250 = arith.extui %sign3A_249 : vector<1x128xi1> to vector<1x128xi32>
      %sign3A_251 = arith.subi %sign3A_246, %sign3A_250 : vector<1x128xi32>
      %sign3A_252 = arith.constant 0 : i32
      %sign3A_253 = arith.cmpi sgt, %jit3A_240, %sign3A_252 : i32
      %sign3A_254 = arith.extui %sign3A_253 : i1 to i32
      %sign3A_255 = arith.constant 0 : i32
      %sign3A_256 = arith.cmpi slt, %jit3A_240, %sign3A_255 : i32
      %sign3A_257 = arith.extui %sign3A_256 : i1 to i32
      %sign3A_258 = arith.subi %sign3A_254, %sign3A_257 : i32
      %ne3A_259 = vector.broadcast %sign3A_258 : i32 to vector<1x128xi32>
      %ne3A_260 = arith.cmpi ne, %sign3A_251, %ne3A_259 : vector<1x128xi32>
      %rem3A_261 = vector.broadcast %jit3A_240 : i32 to vector<1x128xi32>
      %rem3A_262 = arith.remsi %broadcast_in_dim3A_239, %rem3A_261 : vector<1x128xi32>
      %ne3A_263 = arith.constant 0 : i32
      %ne3A_264 = vector.broadcast %ne3A_263 : i32 to vector<1x128xi32>
      %ne3A_265 = arith.cmpi ne, %rem3A_262, %ne3A_264 : vector<1x128xi32>
      %and3A_266 = arith.andi %ne3A_260, %ne3A_265 : vector<1x128xi1>
      %sub3A_267 = arith.constant 1 : i32
      %sub3A_268 = vector.broadcast %sub3A_267 : i32 to vector<1x128xi32>
      %sub3A_269 = arith.subi %div3A_242, %sub3A_268 : vector<1x128xi32>
      %select_n3A_270 = arith.select %and3A_266, %sub3A_269, %div3A_242 : vector<1x128xi1>, vector<1x128xi32>
      %mul3A_271 = arith.constant 1024 : i32
      %mul3A_272 = vector.broadcast %mul3A_271 : i32 to vector<1x128xi32>
      %mul3A_273 = arith.muli %select_n3A_270, %mul3A_272 : vector<1x128xi32>
      %sub3A_274 = arith.subi %broadcast_in_dim3A_239, %mul3A_273 : vector<1x128xi32>
      %mul3A_275 = arith.constant 8192 : i32
      %mul3A_276 = arith.muli %arg0, %mul3A_275 : i32
      %mul3A_277 = arith.constant 2048 : i32
      %mul3A_278 = vector.broadcast %mul3A_277 : i32 to vector<1x128xi32>
      %mul3A_279 = arith.muli %select_n3A_270, %mul3A_278 : vector<1x128xi32>
      %add3A_280 = vector.broadcast %mul3A_276 : i32 to vector<1x128xi32>
      %add3A_281 = arith.addi %add3A_280, %mul3A_279 : vector<1x128xi32>
      %add3A_282 = arith.constant 1024 : i32
      %add3A_283 = vector.broadcast %add3A_282 : i32 to vector<1x128xi32>
      %add3A_284 = arith.addi %add3A_281, %add3A_283 : vector<1x128xi32>
      %add3A_285 = arith.addi %add3A_284, %sub3A_274 : vector<1x128xi32>
      %concatenate3A = tpu.concatenate %add3A_99, %add3A_161, %add3A_223, %add3A_285 in 0 : vector<1x128xi32>, vector<1x128xi32>, vector<1x128xi32>, vector<1x128xi32> -> vector<4x128xi32>
      %swap3A_286 = arith.constant 0 : index
      %swap3A_287 = arith.constant 0 : index
      %swap3A_288 = arith.constant 0 : index
      %swap3A_289 = vector.load %arg4[%swap3A_286, %swap3A_287, %swap3A_288] : memref<1x4x128xi32, #tpu.memory_space<vmem>>, vector<1x4x128xi32>
      %swap3A_290 = vector.shape_cast %swap3A_289 : vector<1x4x128xi32> to vector<4x128xi32>
      %swap3A_291 = vector.shape_cast %concatenate3A : vector<4x128xi32> to vector<1x4x128xi32>
      tpu.vector_store %arg4[%swap3A_286, %swap3A_287, %swap3A_288], %swap3A_291 {strides = array<i32>} : memref<1x4x128xi32, #tpu.memory_space<vmem>>, vector<1x4x128xi32>,
    } else {
    }
    return
  }
  func.func @transform_0(%arg0: i32, %arg1: i32) -> (i32, i32) {
    %c0_i32 = arith.constant 0 : i32
    %c0_i32_0 = arith.constant 0 : i32
    return %arg0, %c0_i32 : i32, i32
  }
  func.func @transform_1(%arg0: i32, %arg1: i32) -> (i32, i32, i32, i32) {
    %mul3A = arith.constant 2 : i32
    %mul3A_0 = arith.muli %mul3A, %arg1 : i32
    %add3A = arith.constant 1 : i32
    %add3A_1 = arith.addi %mul3A_0, %add3A : i32
    %c0_i32 = arith.constant 0 : i32
    %c0_i32_2 = arith.constant 0 : i32
    %c0_i32_3 = arith.constant 0 : i32
    return %arg0, %add3A_1, %c0_i32, %c0_i32_2 : i32, i32, i32, i32
  }
  func.func @transform_2(%arg0: i32, %arg1: i32) -> (i32, i32, i32) {
    %c0_i32 = arith.constant 0 : i32
    %c0_i32_0 = arith.constant 0 : i32
    %c0_i32_1 = arith.constant 0 : i32
    return %arg0, %c0_i32, %c0_i32_0 : i32, i32, i32
  }
}

module attributes {stable_mosaic.version = 14 : i64} {
  func.func @_angle_body(%arg0: i32, %arg1: i32, %arg2: memref<128x1024xf32, #tpu.memory_space<vmem>>, %arg3: memref<128x1024xf32, #tpu.memory_space<vmem>>, %arg4: memref<128x1024xf32, #tpu.memory_space<vmem>>, %arg5: memref<128x1024xf32, #tpu.memory_space<vmem>>, %arg6: memref<512x1024xf32, #tpu.memory_space<vmem>>, %arg7: memref<1x1xf32, #tpu.memory_space<vmem>>) attributes {dimension_semantics = [#tpu.dimension_semantics<arbitrary>, #tpu.dimension_semantics<arbitrary>], iteration_bounds = array<i64: 2, 3>, scalar_prefetch = 0 : i64, scratch_operands = 0 : i64, tpu.core_type = #tpu.core_type<tc>, window_params = [{transform_indices = @transform_0, window_bounds = array<i64: 128, 1024>}, {transform_indices = @transform_1, window_bounds = array<i64: 128, 1024>}, {transform_indices = @transform_2, window_bounds = array<i64: 128, 1024>}, {transform_indices = @transform_3, window_bounds = array<i64: 128, 1024>}, {transform_indices = @transform_4, window_bounds = array<i64: 512, 1024>}, {pipeline_mode = #tpu.pipeline_mode<synchronous>, transform_indices = @transform_5, window_bounds = array<i64: 1, 1>}]} {
    %get3A = arith.constant 0 : index
    %get3A_0 = arith.constant 0 : index
    %get3A_1 = vector.load %arg6[%get3A, %get3A_0] : memref<512x1024xf32, #tpu.memory_space<vmem>>, vector<512x1024xf32>
    %broadcast_in_dim3A = arith.constant 1.000000e+00 : f32
    %broadcast_in_dim3A_2 = vector.broadcast %broadcast_in_dim3A : f32 to vector<1x1024xf32>
    %mul3A = arith.mulf %get3A_1, %get3A_1 : vector<512x1024xf32>
    %dot_general3A = arith.constant dense<0.000000e+00> : vector<512x1xf32>
    %dot_general3A_3 = tpu.matmul %mul3A, %broadcast_in_dim3A_2, %dot_general3A {dimension_numbers = #tpu.dot_dimension_numbers<[1], [1], [0], [0], [0, 0, 1, 0], [], []>, transpose_lhs_hint = false} : vector<512x1024xf32>, vector<1x1024xf32>, vector<512x1xf32> -> vector<512x1xf32>
    %iota3A = tpu.iota {dimensions = array<i32: 0>} : vector<512x128xi32>
    %iota3A_4 = tpu.iota {dimensions = array<i32: 1>} : vector<512x128xi32>
    %jit3A = arith.constant 128 : i32
    %eq3A = arith.constant 0 : i32
    %eq3A_5 = arith.cmpi eq, %jit3A, %eq3A : i32
    %jit3A_6 = arith.constant 1 : i32
    %select_n3A = arith.select %eq3A_5, %jit3A_6, %jit3A : i32
    %rem3A = vector.broadcast %select_n3A : i32 to vector<512x128xi32>
    %rem3A_7 = arith.remsi %iota3A, %rem3A : vector<512x128xi32>
    %ne3A = arith.constant 0 : i32
    %ne3A_8 = vector.broadcast %ne3A : i32 to vector<512x128xi32>
    %ne3A_9 = arith.cmpi ne, %rem3A_7, %ne3A_8 : vector<512x128xi32>
    %lt3A = arith.constant 0 : i32
    %lt3A_10 = vector.broadcast %lt3A : i32 to vector<512x128xi32>
    %lt3A_11 = arith.cmpi slt, %rem3A_7, %lt3A_10 : vector<512x128xi32>
    %lt3A_12 = arith.constant 0 : i32
    %lt3A_13 = arith.cmpi slt, %select_n3A, %lt3A_12 : i32
    %ne3A_14 = vector.broadcast %lt3A_13 : i1 to vector<512x128xi1>
    %ne3A_15 = vector.broadcast %ne3A_14 : vector<512x128xi1> to vector<512x128xi1>
    %ne3A_16 = arith.xori %lt3A_11, %ne3A_15 : vector<512x128xi1>
    %and3A = arith.andi %ne3A_16, %ne3A_9 : vector<512x128xi1>
    %add3A = vector.broadcast %select_n3A : i32 to vector<512x128xi32>
    %add3A_17 = arith.addi %rem3A_7, %add3A : vector<512x128xi32>
    %select_n3A_18 = arith.select %and3A, %add3A_17, %rem3A_7 : vector<512x128xi1>, vector<512x128xi32>
    %eq3A_19 = arith.cmpi eq, %select_n3A_18, %iota3A_4 : vector<512x128xi32>
    %get3A_20 = arith.constant 0 : index
    %get3A_21 = arith.constant 0 : index
    %get3A_22 = vector.load %arg2[%get3A_20, %get3A_21] : memref<128x1024xf32, #tpu.memory_space<vmem>>, vector<128x1024xf32>
    %get3A_23 = arith.constant 0 : index
    %get3A_24 = arith.constant 0 : index
    %get3A_25 = vector.load %arg4[%get3A_23, %get3A_24] : memref<128x1024xf32, #tpu.memory_space<vmem>>, vector<128x1024xf32>
    %mul3A_26 = arith.mulf %get3A_25, %get3A_25 : vector<128x1024xf32>
    %dot_general3A_27 = arith.constant dense<0.000000e+00> : vector<1x128xf32>
    %dot_general3A_28 = tpu.matmul %broadcast_in_dim3A_2, %mul3A_26, %dot_general3A_27 {dimension_numbers = #tpu.dot_dimension_numbers<[1], [1], [0], [0], [0, 0, 1, 0], [], []>, transpose_lhs_hint = false} : vector<1x1024xf32>, vector<128x1024xf32>, vector<1x128xf32> -> vector<1x128xf32>
    %mul3A_29 = arith.mulf %get3A_22, %get3A_22 : vector<128x1024xf32>
    %reduce_sum3A = arith.constant dense<0.000000e+00> : vector<128xf32>
    %reduce_sum3A_30 = vector.multi_reduction <add>, %mul3A_29, %reduce_sum3A [1] : vector<128x1024xf32> to vector<128xf32>
    %broadcast_in_dim3A_31 = vector.shape_cast %reduce_sum3A_30 : vector<128xf32> to vector<128x1xf32>
    %dot_general3A_32 = arith.constant dense<0.000000e+00> : vector<128x128xf32>
    %dot_general3A_33 = tpu.matmul %get3A_22, %get3A_25, %dot_general3A_32 {dimension_numbers = #tpu.dot_dimension_numbers<[1], [1], [0], [0], [0, 0, 1, 0], [], []>, transpose_lhs_hint = false} : vector<128x1024xf32>, vector<128x1024xf32>, vector<128x128xf32> -> vector<128x128xf32>
    %dot_general3A_34 = arith.constant dense<0.000000e+00> : vector<512x128xf32>
    %dot_general3A_35 = tpu.matmul %get3A_1, %get3A_25, %dot_general3A_34 {dimension_numbers = #tpu.dot_dimension_numbers<[1], [1], [0], [0], [0, 0, 1, 0], [], []>, transpose_lhs_hint = false} : vector<512x1024xf32>, vector<128x1024xf32>, vector<512x128xf32> -> vector<512x128xf32>
    %dot_general3A_36 = arith.constant dense<0.000000e+00> : vector<512x128xf32>
    %dot_general3A_37 = tpu.matmul %get3A_1, %get3A_22, %dot_general3A_36 {dimension_numbers = #tpu.dot_dimension_numbers<[1], [1], [0], [0], [0, 0, 1, 0], [], []>, transpose_lhs_hint = false} : vector<512x1024xf32>, vector<128x1024xf32>, vector<512x128xf32> -> vector<512x128xf32>
    %jit3A_38 = arith.constant 0.000000e+00 : f32
    %broadcast_in_dim3A_39 = vector.broadcast %jit3A_38 : f32 to vector<512x128xf32>
    %select_n3A_40 = arith.select %eq3A_19, %dot_general3A_37, %broadcast_in_dim3A_39 : vector<512x128xi1>, vector<512x128xf32>
    %reduce_sum3A_41 = arith.constant dense<0.000000e+00> : vector<512xf32>
    %reduce_sum3A_42 = vector.multi_reduction <add>, %select_n3A_40, %reduce_sum3A_41 [1] : vector<512x128xf32> to vector<512xf32>
    %broadcast_in_dim3A_43 = vector.shape_cast %reduce_sum3A_42 : vector<512xf32> to vector<512x1xf32>
    %concatenate3A = tpu.concatenate %dot_general3A_33, %dot_general3A_33, %dot_general3A_33, %dot_general3A_33 in 0 : vector<128x128xf32>, vector<128x128xf32>, vector<128x128xf32>, vector<128x128xf32> -> vector<512x128xf32>
    %concatenate3A_44 = tpu.concatenate %broadcast_in_dim3A_31, %broadcast_in_dim3A_31, %broadcast_in_dim3A_31, %broadcast_in_dim3A_31 in 0 : vector<128x1xf32>, vector<128x1xf32>, vector<128x1xf32>, vector<128x1xf32> -> vector<512x1xf32>
    %mul3A_45 = arith.constant 2.000000e+00 : f32
    %mul3A_46 = vector.broadcast %mul3A_45 : f32 to vector<512x128xf32>
    %mul3A_47 = arith.mulf %mul3A_46, %concatenate3A : vector<512x128xf32>
    %sub3A = vector.broadcast %dot_general3A_28 : vector<1x128xf32> to vector<512x128xf32>
    %sub3A_48 = arith.subf %sub3A, %mul3A_47 : vector<512x128xf32>
    %add3A_49 = vector.broadcast %concatenate3A_44 : vector<512x1xf32> to vector<512x128xf32>
    %add3A_50 = arith.addf %sub3A_48, %add3A_49 : vector<512x128xf32>
    %mul3A_51 = arith.constant 2.000000e+00 : f32
    %mul3A_52 = vector.broadcast %mul3A_51 : f32 to vector<512x1xf32>
    %mul3A_53 = arith.mulf %mul3A_52, %broadcast_in_dim3A_43 : vector<512x1xf32>
    %sub3A_54 = arith.subf %dot_general3A_3, %mul3A_53 : vector<512x1xf32>
    %add3A_55 = arith.addf %sub3A_54, %concatenate3A_44 : vector<512x1xf32>
    %mul3A_56 = arith.constant 2.000000e+00 : f32
    %mul3A_57 = vector.broadcast %mul3A_56 : f32 to vector<512x128xf32>
    %mul3A_58 = arith.mulf %mul3A_57, %dot_general3A_35 : vector<512x128xf32>
    %sub3A_59 = vector.broadcast %dot_general3A_28 : vector<1x128xf32> to vector<512x128xf32>
    %sub3A_60 = arith.subf %sub3A_59, %mul3A_58 : vector<512x128xf32>
    %add3A_61 = vector.broadcast %dot_general3A_3 : vector<512x1xf32> to vector<512x128xf32>
    %add3A_62 = arith.addf %sub3A_60, %add3A_61 : vector<512x128xf32>
    %gt3A = arith.constant 1.000000e-16 : f32
    %gt3A_63 = vector.broadcast %gt3A : f32 to vector<512x128xf32>
    %gt3A_64 = arith.cmpf ogt, %add3A_50, %gt3A_63 : vector<512x128xf32>
    %max3A = arith.constant 1.000000e-30 : f32
    %max3A_65 = vector.broadcast %max3A : f32 to vector<512x128xf32>
    %max3A_66 = arith.maximumf %add3A_50, %max3A_65 : vector<512x128xf32>
    %rsqrt3A = math.rsqrt %max3A_66 : vector<512x128xf32>
    %jit3A_67 = arith.constant 1.000000e+08 : f32
    %broadcast_in_dim3A_68 = vector.broadcast %jit3A_67 : f32 to vector<512x128xf32>
    %select_n3A_69 = arith.select %gt3A_64, %rsqrt3A, %broadcast_in_dim3A_68 : vector<512x128xi1>, vector<512x128xf32>
    %gt3A_70 = arith.constant 1.000000e-16 : f32
    %gt3A_71 = vector.broadcast %gt3A_70 : f32 to vector<512x1xf32>
    %gt3A_72 = arith.cmpf ogt, %add3A_55, %gt3A_71 : vector<512x1xf32>
    %max3A_73 = arith.constant 1.000000e-30 : f32
    %max3A_74 = vector.broadcast %max3A_73 : f32 to vector<512x1xf32>
    %max3A_75 = arith.maximumf %add3A_55, %max3A_74 : vector<512x1xf32>
    %rsqrt3A_76 = math.rsqrt %max3A_75 : vector<512x1xf32>
    %jit3A_77 = arith.constant 1.000000e+08 : f32
    %broadcast_in_dim3A_78 = vector.broadcast %jit3A_77 : f32 to vector<512x1xf32>
    %select_n3A_79 = arith.select %gt3A_72, %rsqrt3A_76, %broadcast_in_dim3A_78 : vector<512x1xi1>, vector<512x1xf32>
    %gt3A_80 = arith.constant 1.000000e-16 : f32
    %gt3A_81 = vector.broadcast %gt3A_80 : f32 to vector<512x128xf32>
    %gt3A_82 = arith.cmpf ogt, %add3A_62, %gt3A_81 : vector<512x128xf32>
    %max3A_83 = arith.constant 1.000000e-30 : f32
    %max3A_84 = vector.broadcast %max3A_83 : f32 to vector<512x128xf32>
    %max3A_85 = arith.maximumf %add3A_62, %max3A_84 : vector<512x128xf32>
    %rsqrt3A_86 = math.rsqrt %max3A_85 : vector<512x128xf32>
    %jit3A_87 = arith.constant 1.000000e+08 : f32
    %broadcast_in_dim3A_88 = vector.broadcast %jit3A_87 : f32 to vector<512x128xf32>
    %select_n3A_89 = arith.select %gt3A_82, %rsqrt3A_86, %broadcast_in_dim3A_88 : vector<512x128xi1>, vector<512x128xf32>
    %sub3A_90 = arith.subf %dot_general3A_35, %concatenate3A : vector<512x128xf32>
    %sub3A_91 = vector.broadcast %broadcast_in_dim3A_43 : vector<512x1xf32> to vector<512x128xf32>
    %sub3A_92 = arith.subf %sub3A_90, %sub3A_91 : vector<512x128xf32>
    %add3A_93 = vector.broadcast %concatenate3A_44 : vector<512x1xf32> to vector<512x128xf32>
    %add3A_94 = arith.addf %sub3A_92, %add3A_93 : vector<512x128xf32>
    %mul3A_95 = arith.mulf %add3A_94, %select_n3A_69 : vector<512x128xf32>
    %mul3A_96 = vector.broadcast %select_n3A_79 : vector<512x1xf32> to vector<512x128xf32>
    %mul3A_97 = arith.mulf %mul3A_95, %mul3A_96 : vector<512x128xf32>
    %sub3A_98 = vector.broadcast %broadcast_in_dim3A_43 : vector<512x1xf32> to vector<512x128xf32>
    %sub3A_99 = arith.subf %concatenate3A, %sub3A_98 : vector<512x128xf32>
    %sub3A_100 = arith.subf %sub3A_99, %dot_general3A_35 : vector<512x128xf32>
    %add3A_101 = vector.broadcast %dot_general3A_3 : vector<512x1xf32> to vector<512x128xf32>
    %add3A_102 = arith.addf %sub3A_100, %add3A_101 : vector<512x128xf32>
    %mul3A_103 = vector.broadcast %select_n3A_79 : vector<512x1xf32> to vector<512x128xf32>
    %mul3A_104 = arith.mulf %add3A_102, %mul3A_103 : vector<512x128xf32>
    %mul3A_105 = arith.mulf %mul3A_104, %select_n3A_89 : vector<512x128xf32>
    %sub3A_106 = vector.broadcast %broadcast_in_dim3A_43 : vector<512x1xf32> to vector<512x128xf32>
    %sub3A_107 = arith.subf %sub3A_106, %dot_general3A_35 : vector<512x128xf32>
    %sub3A_108 = arith.subf %sub3A_107, %concatenate3A : vector<512x128xf32>
    %add3A_109 = vector.broadcast %dot_general3A_28 : vector<1x128xf32> to vector<512x128xf32>
    %add3A_110 = arith.addf %sub3A_108, %add3A_109 : vector<512x128xf32>
    %mul3A_111 = arith.mulf %add3A_110, %select_n3A_69 : vector<512x128xf32>
    %mul3A_112 = arith.mulf %mul3A_111, %select_n3A_89 : vector<512x128xf32>
    %get3A_113 = arith.constant 0 : index
    %get3A_114 = arith.constant 0 : index
    %get3A_115 = vector.load %arg3[%get3A_113, %get3A_114] : memref<128x1024xf32, #tpu.memory_space<vmem>>, vector<128x1024xf32>
    %get3A_116 = arith.constant 0 : index
    %get3A_117 = arith.constant 0 : index
    %get3A_118 = vector.load %arg5[%get3A_116, %get3A_117] : memref<128x1024xf32, #tpu.memory_space<vmem>>, vector<128x1024xf32>
    %mul3A_119 = arith.mulf %get3A_118, %get3A_118 : vector<128x1024xf32>
    %dot_general3A_120 = arith.constant dense<0.000000e+00> : vector<1x128xf32>
    %dot_general3A_121 = tpu.matmul %broadcast_in_dim3A_2, %mul3A_119, %dot_general3A_120 {dimension_numbers = #tpu.dot_dimension_numbers<[1], [1], [0], [0], [0, 0, 1, 0], [], []>, transpose_lhs_hint = false} : vector<1x1024xf32>, vector<128x1024xf32>, vector<1x128xf32> -> vector<1x128xf32>
    %mul3A_122 = arith.mulf %get3A_115, %get3A_115 : vector<128x1024xf32>
    %reduce_sum3A_123 = arith.constant dense<0.000000e+00> : vector<128xf32>
    %reduce_sum3A_124 = vector.multi_reduction <add>, %mul3A_122, %reduce_sum3A_123 [1] : vector<128x1024xf32> to vector<128xf32>
    %broadcast_in_dim3A_125 = vector.shape_cast %reduce_sum3A_124 : vector<128xf32> to vector<128x1xf32>
    %dot_general3A_126 = arith.constant dense<0.000000e+00> : vector<128x128xf32>
    %dot_general3A_127 = tpu.matmul %get3A_115, %get3A_118, %dot_general3A_126 {dimension_numbers = #tpu.dot_dimension_numbers<[1], [1], [0], [0], [0, 0, 1, 0], [], []>, transpose_lhs_hint = false} : vector<128x1024xf32>, vector<128x1024xf32>, vector<128x128xf32> -> vector<128x128xf32>
    %dot_general3A_128 = arith.constant dense<0.000000e+00> : vector<512x128xf32>
    %dot_general3A_129 = tpu.matmul %get3A_1, %get3A_118, %dot_general3A_128 {dimension_numbers = #tpu.dot_dimension_numbers<[1], [1], [0], [0], [0, 0, 1, 0], [], []>, transpose_lhs_hint = false} : vector<512x1024xf32>, vector<128x1024xf32>, vector<512x128xf32> -> vector<512x128xf32>
    %dot_general3A_130 = arith.constant dense<0.000000e+00> : vector<512x128xf32>
    %dot_general3A_131 = tpu.matmul %get3A_1, %get3A_115, %dot_general3A_130 {dimension_numbers = #tpu.dot_dimension_numbers<[1], [1], [0], [0], [0, 0, 1, 0], [], []>, transpose_lhs_hint = false} : vector<512x1024xf32>, vector<128x1024xf32>, vector<512x128xf32> -> vector<512x128xf32>
    %jit3A_132 = arith.constant 0.000000e+00 : f32
    %broadcast_in_dim3A_133 = vector.broadcast %jit3A_132 : f32 to vector<512x128xf32>
    %select_n3A_134 = arith.select %eq3A_19, %dot_general3A_131, %broadcast_in_dim3A_133 : vector<512x128xi1>, vector<512x128xf32>
    %reduce_sum3A_135 = arith.constant dense<0.000000e+00> : vector<512xf32>
    %reduce_sum3A_136 = vector.multi_reduction <add>, %select_n3A_134, %reduce_sum3A_135 [1] : vector<512x128xf32> to vector<512xf32>
    %broadcast_in_dim3A_137 = vector.shape_cast %reduce_sum3A_136 : vector<512xf32> to vector<512x1xf32>
    %concatenate3A_138 = tpu.concatenate %dot_general3A_127, %dot_general3A_127, %dot_general3A_127, %dot_general3A_127 in 0 : vector<128x128xf32>, vector<128x128xf32>, vector<128x128xf32>, vector<128x128xf32> -> vector<512x128xf32>
    %concatenate3A_139 = tpu.concatenate %broadcast_in_dim3A_125, %broadcast_in_dim3A_125, %broadcast_in_dim3A_125, %broadcast_in_dim3A_125 in 0 : vector<128x1xf32>, vector<128x1xf32>, vector<128x1xf32>, vector<128x1xf32> -> vector<512x1xf32>
    %mul3A_140 = arith.constant 2.000000e+00 : f32
    %mul3A_141 = vector.broadcast %mul3A_140 : f32 to vector<512x128xf32>
    %mul3A_142 = arith.mulf %mul3A_141, %concatenate3A_138 : vector<512x128xf32>
    %sub3A_143 = vector.broadcast %dot_general3A_121 : vector<1x128xf32> to vector<512x128xf32>
    %sub3A_144 = arith.subf %sub3A_143, %mul3A_142 : vector<512x128xf32>
    %add3A_145 = vector.broadcast %concatenate3A_139 : vector<512x1xf32> to vector<512x128xf32>
    %add3A_146 = arith.addf %sub3A_144, %add3A_145 : vector<512x128xf32>
    %mul3A_147 = arith.constant 2.000000e+00 : f32
    %mul3A_148 = vector.broadcast %mul3A_147 : f32 to vector<512x1xf32>
    %mul3A_149 = arith.mulf %mul3A_148, %broadcast_in_dim3A_137 : vector<512x1xf32>
    %sub3A_150 = arith.subf %dot_general3A_3, %mul3A_149 : vector<512x1xf32>
    %add3A_151 = arith.addf %sub3A_150, %concatenate3A_139 : vector<512x1xf32>
    %mul3A_152 = arith.constant 2.000000e+00 : f32
    %mul3A_153 = vector.broadcast %mul3A_152 : f32 to vector<512x128xf32>
    %mul3A_154 = arith.mulf %mul3A_153, %dot_general3A_129 : vector<512x128xf32>
    %sub3A_155 = vector.broadcast %dot_general3A_121 : vector<1x128xf32> to vector<512x128xf32>
    %sub3A_156 = arith.subf %sub3A_155, %mul3A_154 : vector<512x128xf32>
    %add3A_157 = vector.broadcast %dot_general3A_3 : vector<512x1xf32> to vector<512x128xf32>
    %add3A_158 = arith.addf %sub3A_156, %add3A_157 : vector<512x128xf32>
    %gt3A_159 = arith.constant 1.000000e-16 : f32
    %gt3A_160 = vector.broadcast %gt3A_159 : f32 to vector<512x128xf32>
    %gt3A_161 = arith.cmpf ogt, %add3A_146, %gt3A_160 : vector<512x128xf32>
    %max3A_162 = arith.constant 1.000000e-30 : f32
    %max3A_163 = vector.broadcast %max3A_162 : f32 to vector<512x128xf32>
    %max3A_164 = arith.maximumf %add3A_146, %max3A_163 : vector<512x128xf32>
    %rsqrt3A_165 = math.rsqrt %max3A_164 : vector<512x128xf32>
    %jit3A_166 = arith.constant 1.000000e+08 : f32
    %broadcast_in_dim3A_167 = vector.broadcast %jit3A_166 : f32 to vector<512x128xf32>
    %select_n3A_168 = arith.select %gt3A_161, %rsqrt3A_165, %broadcast_in_dim3A_167 : vector<512x128xi1>, vector<512x128xf32>
    %gt3A_169 = arith.constant 1.000000e-16 : f32
    %gt3A_170 = vector.broadcast %gt3A_169 : f32 to vector<512x1xf32>
    %gt3A_171 = arith.cmpf ogt, %add3A_151, %gt3A_170 : vector<512x1xf32>
    %max3A_172 = arith.constant 1.000000e-30 : f32
    %max3A_173 = vector.broadcast %max3A_172 : f32 to vector<512x1xf32>
    %max3A_174 = arith.maximumf %add3A_151, %max3A_173 : vector<512x1xf32>
    %rsqrt3A_175 = math.rsqrt %max3A_174 : vector<512x1xf32>
    %jit3A_176 = arith.constant 1.000000e+08 : f32
    %broadcast_in_dim3A_177 = vector.broadcast %jit3A_176 : f32 to vector<512x1xf32>
    %select_n3A_178 = arith.select %gt3A_171, %rsqrt3A_175, %broadcast_in_dim3A_177 : vector<512x1xi1>, vector<512x1xf32>
    %gt3A_179 = arith.constant 1.000000e-16 : f32
    %gt3A_180 = vector.broadcast %gt3A_179 : f32 to vector<512x128xf32>
    %gt3A_181 = arith.cmpf ogt, %add3A_158, %gt3A_180 : vector<512x128xf32>
    %max3A_182 = arith.constant 1.000000e-30 : f32
    %max3A_183 = vector.broadcast %max3A_182 : f32 to vector<512x128xf32>
    %max3A_184 = arith.maximumf %add3A_158, %max3A_183 : vector<512x128xf32>
    %rsqrt3A_185 = math.rsqrt %max3A_184 : vector<512x128xf32>
    %jit3A_186 = arith.constant 1.000000e+08 : f32
    %broadcast_in_dim3A_187 = vector.broadcast %jit3A_186 : f32 to vector<512x128xf32>
    %select_n3A_188 = arith.select %gt3A_181, %rsqrt3A_185, %broadcast_in_dim3A_187 : vector<512x128xi1>, vector<512x128xf32>
    %sub3A_189 = arith.subf %dot_general3A_129, %concatenate3A_138 : vector<512x128xf32>
    %sub3A_190 = vector.broadcast %broadcast_in_dim3A_137 : vector<512x1xf32> to vector<512x128xf32>
    %sub3A_191 = arith.subf %sub3A_189, %sub3A_190 : vector<512x128xf32>
    %add3A_192 = vector.broadcast %concatenate3A_139 : vector<512x1xf32> to vector<512x128xf32>
    %add3A_193 = arith.addf %sub3A_191, %add3A_192 : vector<512x128xf32>
    %mul3A_194 = arith.mulf %add3A_193, %select_n3A_168 : vector<512x128xf32>
    %mul3A_195 = vector.broadcast %select_n3A_178 : vector<512x1xf32> to vector<512x128xf32>
    %mul3A_196 = arith.mulf %mul3A_194, %mul3A_195 : vector<512x128xf32>
    %sub3A_197 = vector.broadcast %broadcast_in_dim3A_137 : vector<512x1xf32> to vector<512x128xf32>
    %sub3A_198 = arith.subf %concatenate3A_138, %sub3A_197 : vector<512x128xf32>
    %sub3A_199 = arith.subf %sub3A_198, %dot_general3A_129 : vector<512x128xf32>
    %add3A_200 = vector.broadcast %dot_general3A_3 : vector<512x1xf32> to vector<512x128xf32>
    %add3A_201 = arith.addf %sub3A_199, %add3A_200 : vector<512x128xf32>
    %mul3A_202 = vector.broadcast %select_n3A_178 : vector<512x1xf32> to vector<512x128xf32>
    %mul3A_203 = arith.mulf %add3A_201, %mul3A_202 : vector<512x128xf32>
    %mul3A_204 = arith.mulf %mul3A_203, %select_n3A_188 : vector<512x128xf32>
    %sub3A_205 = vector.broadcast %broadcast_in_dim3A_137 : vector<512x1xf32> to vector<512x128xf32>
    %sub3A_206 = arith.subf %sub3A_205, %dot_general3A_129 : vector<512x128xf32>
    %sub3A_207 = arith.subf %sub3A_206, %concatenate3A_138 : vector<512x128xf32>
    %add3A_208 = vector.broadcast %dot_general3A_121 : vector<1x128xf32> to vector<512x128xf32>
    %add3A_209 = arith.addf %sub3A_207, %add3A_208 : vector<512x128xf32>
    %mul3A_210 = arith.mulf %add3A_209, %select_n3A_168 : vector<512x128xf32>
    %mul3A_211 = arith.mulf %mul3A_210, %select_n3A_188 : vector<512x128xf32>
    %broadcast_in_dim3A_212 = arith.constant 0.000000e+00 : f32
    %broadcast_in_dim3A_213 = vector.broadcast %broadcast_in_dim3A_212 : f32 to vector<1x1xf32>
    %sub3A_214 = arith.subf %mul3A_196, %mul3A_97 : vector<512x128xf32>
    %abs3A = math.absf %sub3A_214 : vector<512x128xf32>
    %reduce_sum3A_215 = vector.shape_cast %abs3A : vector<512x128xf32> to vector<1x512x128xf32>
    %reduce_sum3A_216 = arith.constant dense<0.000000e+00> : vector<1xf32>
    %reduce_sum3A_217 = vector.multi_reduction <add>, %reduce_sum3A_215, %reduce_sum3A_216 [1, 2] : vector<1x512x128xf32> to vector<1xf32>
    %reduce_sum3A_218 = vector.shape_cast %reduce_sum3A_217 : vector<1xf32> to vector<1x1x1xf32>
    %reduce_sum3A_219 = vector.extract %reduce_sum3A_218[0, 0, 0] : f32 from vector<1x1x1xf32>
    %broadcast_in_dim3A_220 = vector.broadcast %reduce_sum3A_219 : f32 to vector<1x1xf32>
    %add3A_221 = arith.addf %broadcast_in_dim3A_213, %broadcast_in_dim3A_220 : vector<1x1xf32>
    %sub3A_222 = arith.subf %mul3A_204, %mul3A_105 : vector<512x128xf32>
    %abs3A_223 = math.absf %sub3A_222 : vector<512x128xf32>
    %reduce_sum3A_224 = vector.shape_cast %abs3A_223 : vector<512x128xf32> to vector<1x512x128xf32>
    %reduce_sum3A_225 = arith.constant dense<0.000000e+00> : vector<1xf32>
    %reduce_sum3A_226 = vector.multi_reduction <add>, %reduce_sum3A_224, %reduce_sum3A_225 [1, 2] : vector<1x512x128xf32> to vector<1xf32>
    %reduce_sum3A_227 = vector.shape_cast %reduce_sum3A_226 : vector<1xf32> to vector<1x1x1xf32>
    %reduce_sum3A_228 = vector.extract %reduce_sum3A_227[0, 0, 0] : f32 from vector<1x1x1xf32>
    %broadcast_in_dim3A_229 = vector.broadcast %reduce_sum3A_228 : f32 to vector<1x1xf32>
    %add3A_230 = arith.addf %add3A_221, %broadcast_in_dim3A_229 : vector<1x1xf32>
    %sub3A_231 = arith.subf %mul3A_211, %mul3A_112 : vector<512x128xf32>
    %abs3A_232 = math.absf %sub3A_231 : vector<512x128xf32>
    %reduce_sum3A_233 = vector.shape_cast %abs3A_232 : vector<512x128xf32> to vector<1x512x128xf32>
    %reduce_sum3A_234 = arith.constant dense<0.000000e+00> : vector<1xf32>
    %reduce_sum3A_235 = vector.multi_reduction <add>, %reduce_sum3A_233, %reduce_sum3A_234 [1, 2] : vector<1x512x128xf32> to vector<1xf32>
    %reduce_sum3A_236 = vector.shape_cast %reduce_sum3A_235 : vector<1xf32> to vector<1x1x1xf32>
    %reduce_sum3A_237 = vector.extract %reduce_sum3A_236[0, 0, 0] : f32 from vector<1x1x1xf32>
    %broadcast_in_dim3A_238 = vector.broadcast %reduce_sum3A_237 : f32 to vector<1x1xf32>
    %add3A_239 = arith.addf %add3A_230, %broadcast_in_dim3A_238 : vector<1x1xf32>
    %eq3A_240 = arith.constant 0 : i32
    %eq3A_241 = arith.cmpi eq, %arg0, %eq3A_240 : i32
    %eq3A_242 = arith.constant 0 : i32
    %eq3A_243 = arith.cmpi eq, %arg1, %eq3A_242 : i32
    %and3A_244 = arith.andi %eq3A_241, %eq3A_243 : i1
    %convert_element_type3A = arith.extui %and3A_244 : i1 to i32
    %cond3A = arith.constant 0 : i32
    %cond3A_245 = arith.cmpi ne, %convert_element_type3A, %cond3A : i32
    scf.if %cond3A_245 {
      %broadcast_in_dim3A_260 = arith.constant 0.000000e+00 : f32
      %broadcast_in_dim3A_261 = vector.broadcast %broadcast_in_dim3A_260 : f32 to vector<1x1xf32>
      %swap3A_262 = arith.constant 0 : index
      %swap3A_263 = arith.constant 0 : index
      %swap3A_264 = vector.load %arg7[%swap3A_262, %swap3A_263] : memref<1x1xf32, #tpu.memory_space<vmem>>, vector<1x1xf32>
      tpu.vector_store %arg7[%swap3A_262, %swap3A_263], %broadcast_in_dim3A_261 {strides = array<i32>} : memref<1x1xf32, #tpu.memory_space<vmem>>, vector<1x1xf32>,
    } else {
    }
    %get3A_246 = arith.constant 0 : index
    %get3A_247 = arith.constant 0 : index
    %get3A_248 = vector.load %arg7[%get3A_246, %get3A_247] : memref<1x1xf32, #tpu.memory_space<vmem>>, vector<1x1xf32>
    %add3A_249 = arith.addf %get3A_248, %add3A_239 : vector<1x1xf32>
    %swap3A = arith.constant 0 : index
    %swap3A_250 = arith.constant 0 : index
    %swap3A_251 = vector.load %arg7[%swap3A, %swap3A_250] : memref<1x1xf32, #tpu.memory_space<vmem>>, vector<1x1xf32>
    tpu.vector_store %arg7[%swap3A, %swap3A_250], %add3A_249 {strides = array<i32>} : memref<1x1xf32, #tpu.memory_space<vmem>>, vector<1x1xf32>,
    %eq3A_252 = arith.constant 1 : i32
    %eq3A_253 = arith.cmpi eq, %arg0, %eq3A_252 : i32
    %eq3A_254 = arith.constant 2 : i32
    %eq3A_255 = arith.cmpi eq, %arg1, %eq3A_254 : i32
    %and3A_256 = arith.andi %eq3A_253, %eq3A_255 : i1
    %convert_element_type3A_257 = arith.extui %and3A_256 : i1 to i32
    %cond3A_258 = arith.constant 0 : i32
    %cond3A_259 = arith.cmpi ne, %convert_element_type3A_257, %cond3A_258 : i32
    scf.if %cond3A_259 {
      %get3A_260 = arith.constant 0 : index
      %get3A_261 = arith.constant 0 : index
      %get3A_262 = vector.load %arg7[%get3A_260, %get3A_261] : memref<1x1xf32, #tpu.memory_space<vmem>>, vector<1x1xf32>
      %div3A = arith.constant 3.932160e+05 : f32
      %div3A_263 = vector.broadcast %div3A : f32 to vector<1x1xf32>
      %div3A_264 = arith.divf %get3A_262, %div3A_263 : vector<1x1xf32>
      %swap3A_265 = arith.constant 0 : index
      %swap3A_266 = arith.constant 0 : index
      %swap3A_267 = vector.load %arg7[%swap3A_265, %swap3A_266] : memref<1x1xf32, #tpu.memory_space<vmem>>, vector<1x1xf32>
      tpu.vector_store %arg7[%swap3A_265, %swap3A_266], %div3A_264 {strides = array<i32>} : memref<1x1xf32, #tpu.memory_space<vmem>>, vector<1x1xf32>,
    } else {
    }
    return
  }
  func.func @transform_0(%arg0: i32, %arg1: i32) -> (i32, i32) {
    %c0_i32 = arith.constant 0 : i32
    %c0_i32_0 = arith.constant 0 : i32
    return %arg0, %c0_i32 : i32, i32
  }
  func.func @transform_1(%arg0: i32, %arg1: i32) -> (i32, i32) {
    %c0_i32 = arith.constant 0 : i32
    %c0_i32_0 = arith.constant 0 : i32
    return %arg0, %c0_i32 : i32, i32
  }
  func.func @transform_2(%arg0: i32, %arg1: i32) -> (i32, i32) {
    %mul3A = arith.constant 3 : i32
    %mul3A_0 = arith.muli %mul3A, %arg0 : i32
    %add3A = arith.addi %mul3A_0, %arg1 : i32
    %c0_i32 = arith.constant 0 : i32
    %c0_i32_1 = arith.constant 0 : i32
    return %add3A, %c0_i32 : i32, i32
  }
  func.func @transform_3(%arg0: i32, %arg1: i32) -> (i32, i32) {
    %mul3A = arith.constant 3 : i32
    %mul3A_0 = arith.muli %mul3A, %arg0 : i32
    %add3A = arith.addi %mul3A_0, %arg1 : i32
    %c0_i32 = arith.constant 0 : i32
    %c0_i32_1 = arith.constant 0 : i32
    return %add3A, %c0_i32 : i32, i32
  }
  func.func @transform_4(%arg0: i32, %arg1: i32) -> (i32, i32) {
    %c0_i32 = arith.constant 0 : i32
    %c0_i32_0 = arith.constant 0 : i32
    return %arg0, %c0_i32 : i32, i32
  }
  func.func @transform_5(%arg0: i32, %arg1: i32) -> (i32, i32) {
    %c0_i32 = arith.constant 0 : i32
    %c0_i32_0 = arith.constant 0 : i32
    %c0_i32_1 = arith.constant 0 : i32
    return %c0_i32, %c0_i32_0 : i32, i32
  }
}

</mosaic_0001>

<sc_bundles>
// kernel: kernel.10.cloned.1.call-start
scs
__scs_entry_jumppad:
0x0: {  	(pc) =	sbr.rel $0x88, $3  }
0x1: {  	(tag) =	ssettag $0x0;
	lr =	simm.s32 $0x1  }
0x2: {  	[smem:$0x3F9D] =	sst lr;
	_ =	strace $0xD0000000  }
0x3: {  	_ = 	snop  }
0x4: {  	_ = 	snop  }
0x5: {  	_ = 	snop  }
0x6: {  	_ = 	snop  }
0x7: {  	_ = 	snop  }
__scs_overlays_trampoline_lowered:
0x8: {  	[smem:$0x3FAC] =	sst s0  }
0x9: {  	[smem:$0x3FAD] =	sst s1  }
0xa: {  	[smem:$0x3FAE] =	sst s2  }
0xb: {  	[smem:$0x3FAF] =	sst s3  }
0xc: {  	[smem:$0x3FB0] =	sst s4  }
0xd: {  	[smem:$0x3FB1] =	sst s5  }
0xe: {  	[smem:$0x3FB2] =	sst s6  }
0xf: {  	[smem:$0x3FB3] =	sst s7  }
0x10: {  	[smem:$0x3FB4] =	sst s8  }
0x11: {  	[smem:$0x3FB5] =	sst s9;
	s0 =	simm.s32 @!p0 $0x0  }
0x12: {  	s1 =	sld [smem:$0x3F9B];
	s0 =	simm.s32 @p0 $0x1  }
0x13: {  	[smem:$0x3FB6] =	sst s0;
	s0 =	simm.s32 @!p1 $0x0  }
0x14: {  	s2 =	sld [smem:$0x3F9A];
	s0 =	simm.s32 @p1 $0x1  }
0x15: {  	[smem:$0x3FB7] =	sst s0;
	s0 =	simm.s32 @!p2 $0x0  }
0x16: {  	s3 =	sld [smem:$0x3FDB];
	s0 =	simm.s32 @p2 $0x1  }
0x17: {  	s4 =	simm.s32 $0x1BF5;
	[smem:$0x3FB9] =	sst s0  }
0x18: {  	s0 =	sld [smem:$0x3F9C];
	_ =	swait.ge [sflag:s4], $0x0  }
0x19: {  	s7 =	sld [smem:$0x3F9D]  }
0x1a: {  	s8 =	sadd.s32 $0xFFFFE003, lr  }
0x1b: {  	s9 =	sadd.s32 $0xFFFFFEF7, lr;
	s5 =	simm.s32 $0xFFFFFFFF;
	p2 =	slt.u32 s8, $0xFFFFF086  }
0x1c: {  	p1 =	slt.u32 s9, $0xF7A;
	s5 =	simm.s32 @!p2 $0x0  }
0x1d: {  	s5 =	simm.s32 @p1 $0x1;
	p0 =	seq.s32 s7, s2  }
0x1e: {  	s7 =	smul.u32 @!p0 $0xF7A, s2;
	p2 =	seq.s32 @!p0 s5, $0x0  }
0x1f: {  	s9 =	smul.u32 $0xF7A, s1;
	s8 =	simm.s32 @!p0 $0x1BF5;
	p2 =	por !p2, p0  }
0x20: {  	[sflag:s8] =	ssyncset.s32 @!p0 $0xFFFFF086;
	s6 =	sadd.s32 @!p0 s3, s7;
	s7 =	simm.s32 @!p0 $0x108  }
0x21: {  	s3 =	sadd.s32 s3, s9;
	s6 =	sadd.s32 @!p0 $0x88, s6;
	s7 =	simm.s32 @p2 $0x1082  }
0x22: {  	[simem:s7], [sflag:s8] =	dma.local @!p0 [hbm:s6], $0xF7A  }
0x23: {  	s9 =	sor.u32 $0xD0000000, s2;
	s6 =	simm.s32 $0x108;
	_ =	swait.ge @!p0 [sflag:s8], $0x0  }
0x24: {  	s3 =	sadd.s32 $0x88, s3;
	s6 =	simm.s32 @!p1 $0x1082;
	[sflag:s4] =	ssyncset.s32 $0xFFFFF086  }
0x25: {  	[simem:s6], [sflag:s4] =	dma.local [hbm:s3], $0xF7A  }
0x26: {  	[smem:$0x3F9D] =	sst s1;
	(tag) =	ssettag s2;
	_ =	strace s9  }
0x27: {  	s1 =	sld [smem:$0x3FAD]  }
0x28: {  	s2 =	sld [smem:$0x3FAE]  }
0x29: {  	s4 =	sld [smem:$0x3FB0]  }
0x2a: {  	p0 =	seq.s32 s5, $0x0;
	s5 =	sld [smem:$0x3FB1]  }
0x2b: {  	s6 =	sld [smem:$0x3FB2]  }
0x2c: {  	s7 =	sld [smem:$0x3FB3]  }
0x2d: {  	s3 =	simm.s32 $0x108;
	s8 =	sld [smem:$0x3FB4]  }
0x2e: {  	s3 =	simm.s32 @!p0 $0x1082;
	s9 =	sld [smem:$0x3FB5]  }
0x2f: {  	lr =	sadd.s32 s0, s3;
	s0 =	sld [smem:$0x3FAC]  }
0x30: {  	s3 =	sld [smem:$0x3FAF]  }
0x31: {  	[smem:$0x3FB8] =	sst s10  }
0x32: {  	s10 =	sld [smem:$0x3FB6];
	_ =	sdelay $0x3  }
0x33: {  	p0 =	seq.s32 s10, $0x1;
	s10 =	sld [smem:$0x3FB8];
	_ =	sdelay $0x3  }
0x34: {  	[smem:$0x3FB8] =	sst s10  }
0x35: {  	s10 =	sld [smem:$0x3FB7];
	_ =	sdelay $0x3  }
0x36: {  	p1 =	seq.s32 s10, $0x1;
	s10 =	sld [smem:$0x3FB8];
	_ =	sdelay $0x3  }
0x37: {  	[smem:$0x3FB8] =	sst s10  }
0x38: {  	s10 =	sld [smem:$0x3FB9]  }
0x39: {  	_ = 	snop;
	(pc) =	sbr.ind lr, $3  }
0x3a: {  	_ = 	snop  }
0x3b: {  	_ = 	snop  }
0x3c: {  	p2 =	seq.s32 s10, $0x1;
	s10 =	sld [smem:$0x3FB8]  }
0x3d: {  	_ =	shalt  }
0x3e: {  	_ =	shalt  }
0x3f: {  	_ =	shalt  }
0x40: {  	_ =	shalt  }
0x41: {  	_ =	shalt  }
0x42: {  	_ =	shalt  }
0x43: {  	_ =	shalt  }
0x44: {  	_ =	shalt  }
0x45: {  	_ =	shalt  }
0x46: {  	_ =	shalt  }
0x47: {  	_ =	shalt  }
0x48: {  	_ =	shalt  }
0x49: {  	_ =	shalt  }
0x4a: {  	_ =	shalt  }
0x4b: {  	_ =	shalt  }
0x4c: {  	_ =	shalt  }
0x4d: {  	_ =	shalt  }
0x4e: {  	_ =	shalt  }
0x4f: {  	_ =	shalt  }
0x50: {  	_ =	shalt  }
0x51: {  	_ =	shalt  }
0x52: {  	_ =	shalt  }
0x53: {  	_ =	shalt  }
0x54: {  	_ =	shalt  }
0x55: {  	_ =	shalt  }
0x56: {  	_ =	shalt  }
0x57: {  	_ =	shalt  }
0x58: {  	_ =	shalt  }
0x59: {  	_ =	shalt  }
0x5a: {  	_ =	shalt  }
0x5b: {  	_ =	shalt  }
0x5c: {  	_ =	shalt  }
0x5d: {  	_ =	shalt  }
0x5e: {  	_ =	shalt  }
0x5f: {  	_ =	shalt  }
0x60: {  	_ =	shalt  }
0x61: {  	_ =	shalt  }
0x62: {  	_ =	shalt  }
0x63: {  	_ =	shalt  }
0x64: {  	_ =	shalt  }
0x65: {  	_ =	shalt  }
0x66: {  	_ =	shalt  }
0x67: {  	_ =	shalt  }
0x68: {  	_ =	shalt  }
0x69: {  	_ =	shalt  }
0x6a: {  	_ =	shalt  }
0x6b: {  	_ =	shalt  }
0x6c: {  	_ =	shalt  }
0x6d: {  	_ =	shalt  }
0x6e: {  	_ =	shalt  }
0x6f: {  	_ =	shalt  }
0x70: {  	_ =	shalt  }
0x71: {  	_ =	shalt  }
0x72: {  	_ =	shalt  }
0x73: {  	_ =	shalt  }
0x74: {  	_ =	shalt  }
0x75: {  	_ =	shalt  }
0x76: {  	_ =	shalt  }
0x77: {  	_ =	shalt  }
0x78: {  	_ =	shalt  }
0x79: {  	_ =	shalt  }
0x7a: {  	_ =	shalt  }
0x7b: {  	_ =	shalt  }
0x7c: {  	_ =	shalt  }
0x7d: {  	_ =	shalt  }
0x7e: {  	_ =	shalt  }
0x7f: {  	_ =	shalt  }
0x80: {  	_ =	shalt  }
0x81: {  	_ =	shalt  }
0x82: {  	_ =	shalt  }
0x83: {  	_ =	shalt  }
0x84: {  	_ =	shalt  }
0x85: {  	_ =	shalt  }
0x86: {  	_ =	shalt  }
0x87: {  	_ =	shalt  }
.Lfunc_end0:
.L_simem_size_0:
called_computation.1_lowered:
.L_overlay_start_0:
0x88: {  	s2 =	sld [smem:$0x3FD9]  }
0x89: {  	s3 =	sld [smem:$0x3FFE];
	_ =	sdelay $0x1  }
0x8a: {  	s1 =	srdreg.scid  }
0x8b: {  	s0 =	sand.u32 $0x1, s1  }
0x8c: {  	s17 =	sshll.u32 s0, $0xA;
	s2 =	sadd.s32 s3, s2  }
0x8d: {  	s2 =	sadd.s32 s2, s17  }
0x8e: {  	[smem:$0x3FC4] =	sst s2  }
0x8f: {  	_ = 	snop  }
0x90: {  	s4 =	sld [smem:$0x3FC9]  }
0x91: {  	s18 =	sld [smem:$0x3FC8];
	(tm) =	ssettm $0x1  }
0x92: {  	s19 =	sld [smem:$0x3FFB];
	_ =	sdelay $0x3  }
0x93: {  	_ =	strace s19  }
0x94: {  	s2 =	sld [smem:$0x3FFC];
	_ =	sdelay $0x3  }
0x95: {  	_ =	strace s2  }
0x96: {  	s2 =	sld [smem:$0x3FFD];
	_ =	sdelay $0x3  }
0x97: {  	_ =	strace s2  }
0x98: {  	_ =	strace $0x8FFFFFFF  }
0x99: {  	s20 =	sld [smem:$0x3FDB];
	_ =	sdelay $0x1  }
0x9a: {  	s5 =	simm.s32 $_scs_section_size  }
0x9b: {  	s6 =	simm.s32 $_size__tile_overlayer_lowered;
	s7 =	simm.s32 $_tile_overlayer_lowered  }
0x9c: {  	s8 =	simm.s32 $0x1BFF;
	s21 =	sshll.u32 s7, $0x1;
	s5 =	sadd.s32 s5, s20  }
0x9d: {  	s22 =	simm.s32 $0x0;
	s6 =	sshll.u32 s6, $0x1;
	s7 =	sadd.s32 s21, s5  }
0x9e: {  	[timem:s22], [sflag:s8] =	dma.local [hbm:s7], s6  }
0x9f: {  	_ =	swait.ge [sflag:s8], s6  }
0xa0: {  	s6 =	ssub.s32 $0x0, s6;
	[sflag:s8] =	ssyncset.done $0x0  }
0xa1: {  	[sflag:s8] =	ssyncadd.s32 s6;
	_ =	sdelay $0x1  }
0xa2: {  	s23 =	simm.s32 $0x1B8B  }
0xa3: {  	_ =	swait.ge [sflag:s23], $0x1  }
0xa4: {  	[sflag:s23] =	ssyncset.done $0x0  }
0xa5: {  	[sflag:s23] =	ssyncadd.s32 $0xFFFFFFFF  }
0xa6: {  	s6 =	sld [smem:$0x0]  }
0xa7: {  	s7 =	sand.u32 $0xFFFFFFFE, s1  }
0xa8: {  	p0 =	sne.s32 s1, s7  }
0xa9: {  	s7 =	sshll.u32 @p0 s7, $0xE  }
0xaa: {  	s7 =	sadd.s32 @p0 $0x11B8D, s7;
	s8 =	sshll.u32 @p0 s6, $0x11  }
0xab: {  	s7 =	sor.u32 @p0 s8, s7  }
0xac: {  	[sflag:s7] =	ssyncadd.remote.s32 @p0 $0x1;
	_ =	sdelay $0x1  }
0xad: {  	s7 =	simm.s32 @p0 $0x1B8D  }
0xae: {  	_ =	swait.eq @p0 [sflag:s7], $0x1  }
0xaf: {  	[sflag:s7] =	ssyncadd.s32 @p0 $0xFFFFFFFF  }
0xb0: {  	s8 =	sshll.u32 @!p0 s1, $0xE  }
0xb1: {  	s8 =	sor.u32 @!p0 $0x4000, s8;
	s7 =	simm.s32 @!p0 $0x1B8D  }
0xb2: {  	s6 =	sshll.u32 @!p0 s6, $0x11;
	s8 =	sadd.s32 @!p0 $0x11B8D, s8;
	_ =	swait.eq @!p0 [sflag:s7], $0x1  }
0xb3: {  	s6 =	sor.u32 @!p0 s6, s8;
	[sflag:s7] =	ssyncadd.s32 @!p0 $0xFFFFFFFF  }
0xb4: {  	s25 =	simm.s32 $0x1B8E;
	s24 =	sld [smem:$0x3FFE];
	[sflag:s6] =	ssyncadd.remote.s32 @!p0 $0x1  }
0xb5: {  	s26 =	simm.s32 $execute0_lowered;
	[smem:$0x3FD2] =	sst s25  }
0xb6: {  	s7 =	sshll.u32 s26, $0x1;
	_ =	strace $0x80000049;
	[dreg:$0x1] =	wrdreg $0xFFFFFFFF  }
0xb7: {  	s28 =	simm.s32 $_size_execute0_lowered;
	s5 =	sadd.s32 s5, s7;
	[dreg:$0x0] =	wrdreg $0x0  }
0xb8: {  	s7 =	sshll.u32 s28, $0x1;
	[dreg:$0x2] =	wrdreg s5  }
0xb9: {  	[dreg:$0x3] =	wrdreg s7  }
0xba: {  	[dreg:$0x4] =	wrdreg $0xC0  }
0xbb: {  	_ =	task [dreg:s22], $0x5FFFF  }
0xbc: {  	[dreg:$0x1] =	wrdreg $0xFFFFFFFF  }
0xbd: {  	[dreg:$0x0] =	wrdreg $0x60  }
0xbe: {  	[dreg:$0x2] =	wrdreg s4  }
0xbf: {  	[dreg:$0x3] =	wrdreg s24  }
0xc0: {  	[dreg:$0x4] =	wrdreg s18  }
0xc1: {  	[dreg:$0x5] =	wrdreg $0x9  }
0xc2: {  	_ =	task.clear_ibuf [dreg:s22], $0x6FFFF;
	_ =	strace $0x90000049  }
0xc3: {  	s29 =	simm.s32 $0x9;
	_ =	strace $0x8000004B  }
0xc4: {  	_ =	swait.ge [sflag:s29], $0x1  }
0xc5: {  	[sflag:s29] =	ssyncadd.s32 $0xFFFFFFFF  }
0xc6: {  	_ =	strace $0x9000004B  }
0xc7: {  	_ =	sfence  }
0xc8: {  	s30 =	sld [smem:$0x0];
	_ =	sdelay $0x2  }
0xc9: {  	s31 =	sshll.u32 s1, $0xD;
	s1 =	sshrl.u32 s1, $0x2  }
0xca: {  	s4 =	sand.u32 $0x4000, s31;
	s1 =	sadd.s32 s1, s30  }
0xcb: {  	s0 =	sor.u32 s4, s0;
	s1 =	sshll.u32 s1, $0x11  }
0xcc: {  	s0 =	sor.u32 s1, s0  }
0xcd: {  	s0 =	sadd.s32 $0x8F2B, s0  }
0xce: {  	[sflag:s0] =	ssyncadd.remote.s32 $0x1  }
0xcf: {  	_ =	sfence.sel $0xFFFF  }
0xd0: {  	[dreg:$0x0] =	wrdreg $0xFFFFFFFF;
	(pc) =	sbr.abs _section_cstart, $3  }
0xd1: {  	[dreg:$0x1] =	wrdreg $0xFFFFFFFF  }
0xd2: {  	_ =	task.clear_ibuf [dreg:s22], $0x2FFFF;
	_ =	strace $0x9FFFFFFF  }
0xd3: {  	(tm) =	ssettm $0x7FFFFFFF  }
tec
execute0_lowered:
.L_overlay_start_1:
0x0: {  	(tag) =	ssettag $0x1  }
0x1: {  	s1 =	rddreg [dreg:$0x0]  }
0x2: {  	s2 =	srdreg.scid;
	s5 =	rddreg [dreg:$0x1]  }
0x3: {  	s0 =	stileid.u32;
	s3 =	rddreg [dreg:$0x2]  }
0x4: {  	s4 =	simm.s32 $0x0;
	s16 =	simm.s32 $0x2;
	s17 =	simm.s32 $0x80  }
0x5: {  	s18 =	simm.s32 $0x880;
	s19 =	simm.s32 $0x1080;
	s20 =	simm.s32 $0x1880  }
0x6: {  	s21 =	simm.s32 $0x2080;
	s22 =	simm.s32 $0x2880;
	s23 =	simm.s32 $0x3080  }
0x7: {  	s24 =	simm.s32 $0x3880;
	s25 =	simm.s32 $0x4080;
	s28 =	simm.s32 $0x5080  }
0x8: {  	s29 =	simm.s32 $0x5880;
	s6 =	sand.u32 $0x1, s2;
	s2 =	rddreg [dreg:$0x3]  }
0x9: {  	s30 =	simm.s32 $0x1;
	s26 =	sshll.u32 s0, $0x1;
	[smem:$0x7FF] =	sst s4  }
0xa: {  	s11 =	sadd.s32 $0x100, s3;
	s12 =	sadd.s32 $0x200, s3;
	s7 =	sor.u32 s6, s26  }
0xb: {  	s13 =	sadd.s32 $0x300, s3;
	s6 =	ssub.s32 $0x2, s6;
	s8 =	smul.u32 $0x3, s7  }
0xc: {  	_ =	strace $0x8000004A;
	s7 =	smul.u32 $0xC00, s7;
	s31 =	sshrl.u32 s6, $0x1  }
0xd: {  	s26 =	simm.s32 $0x4880;
	s15 =	ssub.s32 s6, s31;
	s6 =	sadd.s32 $0x100, s1  }
0xe: {  	v2 =	vlaneseq.u32;
	s10 =	sadd.s32 s8, s5;
	s14 =	sadd.s32 s7, s5;
	s7 =	sadd.s32 $0x200, s1  }
0xf: {  	vm0 =	vmmov $0xffff;
	v1 =	vshrl.u32 v2, $0x3;
	s8 =	sadd.s32 $0x300, s1;
	s15 =	smax.u32 s15, $0x1;
	s5 =	sadd.s32 $0x13C00, s10  }
0x10: {  	v0 =	vand.u32 $0x7, v2;
	v2 =	vor.u32 $0x8, v2;
	v1 =	vmul.u32 $0x8, v1;
	s9 =	sadd.s32 $0x13E00, s14;
	s10 =	sadd.s32 $0x13A00, s10;
	s14 =	sadd.s32 $0x2BE00, s14  }
.LBB2_1:
0x11: {  	[tilespmem:s4], [sflag:$0x2] =	stream.linear.gather [hbm4b:s5+s4], $0x18, $0x38;
	[tilespmem:$0x6080] =	vst v63  }
0x12: {  	_ =	swait.ge [sflag:s16], $0x18  }
0x13: {  	[sflag:s16] =	ssyncset.done $0x0  }
0x14: {  	[sflag:s16] =	ssyncadd.s32 $0xFFFFFFE8  }
0x15: {  	v3 =	vld [tilespmem:$0x0];
	_ =	sdelay $0x4  }
0x16: {  	v4 =	vshll.u32 v3, $0x3  }
0x17: {  	v3 =	vand.u32 $0x7, v3;
	v4 =	vand.u32 $0xFFFFFFC0, v4  }
0x18: {  	v3 =	vor.u32 v3, v4  }
0x19: {  	v4 =	vperm.xlane v3, v0;
	_ =	sdelay $0x1  }
0x1a: {  	v4 =	vadd.s32 v1, v4;
	_ =	sdelay $0x4  }
0x1b: {  	[tilespmem:s17], [sflag:$0x1] =	stream.indirect_vreg.gather [hbm4b:s1+s4], $0x80, v4, vm0, $0xb8;
	[tilespmem:$0x6080] =	vst v63  }
0x1c: {  	v3 =	vperm.xlane v3, v2  }
0x1d: {  	[tilespmem:s18], [sflag:$0x1] =	stream.indirect_vreg.gather [hbm4b:s6+s4], $0x80, v4, vm0, $0xb8;
	[tilespmem:$0x6080] =	vst v63  }
0x1e: {  	v3 =	vadd.s32 v1, v3  }
0x1f: {  	[tilespmem:s19], [sflag:$0x1] =	stream.indirect_vreg.gather [hbm4b:s7+s4], $0x80, v4, vm0, $0xb8;
	[tilespmem:$0x6080] =	vst v63  }
0x20: {  	_ = 	snop  }
0x21: {  	[tilespmem:s20], [sflag:$0x1] =	stream.indirect_vreg.gather [hbm4b:s8+s4], $0x80, v4, vm0, $0xb8;
	[tilespmem:$0x6080] =	vst v63  }
0x22: {  	_ = 	snop  }
0x23: {  	[tilespmem:s21], [sflag:$0x1] =	stream.indirect_vreg.gather [hbm4b:s1+s4], $0x80, v3, vm0, $0xb8;
	[tilespmem:$0x6080] =	vst v63  }
0x24: {  	_ = 	snop  }
0x25: {  	[tilespmem:s22], [sflag:$0x1] =	stream.indirect_vreg.gather [hbm4b:s6+s4], $0x80, v3, vm0, $0xb8;
	[tilespmem:$0x6080] =	vst v63  }
0x26: {  	_ = 	snop  }
0x27: {  	[tilespmem:s23], [sflag:$0x1] =	stream.indirect_vreg.gather [hbm4b:s7+s4], $0x80, v3, vm0, $0xb8;
	[tilespmem:$0x6080] =	vst v63  }
0x28: {  	_ = 	snop  }
0x29: {  	[tilespmem:s24], [sflag:$0x1] =	stream.indirect_vreg.gather [hbm4b:s8+s4], $0x80, v3, vm0, $0xb8;
	[tilespmem:$0x6080] =	vst v63  }
0x2a: {  	v3 =	vld.msk [tilespmem:$0x10], $0xff;
	_ =	sdelay $0x4  }
0x2b: {  	v61 =	vshll.u32 v3, $0x3  }
0x2c: {  	v3 =	vand.u32 $0x7, v3;
	v4 =	vand.u32 $0xFFFFFFC0, v61  }
0x2d: {  	v3 =	vor.u32 v3, v4  }
0x2e: {  	v3 =	vperm.xlane v3, v0;
	_ =	sdelay $0x1  }
0x2f: {  	v3 =	vadd.s32 v1, v3;
	_ =	sdelay $0x4  }
0x30: {  	[tilespmem:s25], [sflag:$0x1] =	stream.indirect_vreg.gather [hbm4b:s1+s4], $0x80, v3, vm0, $0xb8;
	[tilespmem:$0x6080] =	vst v63  }
0x31: {  	_ = 	snop  }
0x32: {  	[tilespmem:s26], [sflag:$0x1] =	stream.indirect_vreg.gather [hbm4b:s6+s4], $0x80, v3, vm0, $0xb8;
	[tilespmem:$0x6080] =	vst v63  }
0x33: {  	_ = 	snop  }
0x34: {  	[tilespmem:s28], [sflag:$0x1] =	stream.indirect_vreg.gather [hbm4b:s7+s4], $0x80, v3, vm0, $0xb8;
	[tilespmem:$0x6080] =	vst v63  }
0x35: {  	_ = 	snop  }
0x36: {  	[tilespmem:s29], [sflag:$0x1] =	stream.indirect_vreg.gather [hbm4b:s8+s4], $0x80, v3, vm0, $0xb8;
	[tilespmem:$0x6080] =	vst v63  }
0x37: {  	_ =	swait.ge [sflag:s30], $0x6000  }
0x38: {  	[sflag:s30] =	ssyncset.done $0x0  }
0x39: {  	[sflag:s30] =	ssyncadd.s32 $0xFFFFA000  }
0x3a: {  	[hbm4b:s9+s4] =	stream.linear.scatter [tilespmem:s17], [sflag:$0x2], $0x6000, $0x38;
	[tilespmem:$0x6080] =	vst v63  }
0x3b: {  	_ =	swait.ge [sflag:s16], $0x6000  }
0x3c: {  	[sflag:s16] =	ssyncset.done $0x0  }
0x3d: {  	[sflag:s16] =	ssyncadd.s32 $0xFFFFA000  }
0x3e: {  	[tilespmem:s4], [sflag:$0x2] =	stream.linear.gather [hbm4b:s10+s4], $0x18, $0x38;
	[tilespmem:$0x6080] =	vst v63  }
0x3f: {  	_ =	swait.ge [sflag:s16], $0x18  }
0x40: {  	[sflag:s16] =	ssyncset.done $0x0  }
0x41: {  	[sflag:s16] =	ssyncadd.s32 $0xFFFFFFE8  }
0x42: {  	v3 =	vld [tilespmem:$0x0];
	_ =	sdelay $0x4  }
0x43: {  	v62 =	vshll.u32 v3, $0x3  }
0x44: {  	v3 =	vand.u32 $0x7, v3;
	v4 =	vand.u32 $0xFFFFFFC0, v62  }
0x45: {  	v3 =	vor.u32 v3, v4  }
0x46: {  	v4 =	vperm.xlane v3, v0;
	_ =	sdelay $0x1  }
0x47: {  	v4 =	vadd.s32 v1, v4;
	_ =	sdelay $0x4  }
0x48: {  	[tilespmem:s17], [sflag:$0x1] =	stream.indirect_vreg.gather [hbm4b:s3+s4], $0x80, v4, vm0, $0xb8;
	[tilespmem:$0x6080] =	vst v63  }
0x49: {  	v3 =	vperm.xlane v3, v2  }
0x4a: {  	[tilespmem:s18], [sflag:$0x1] =	stream.indirect_vreg.gather [hbm4b:s11+s4], $0x80, v4, vm0, $0xb8;
	[tilespmem:$0x6080] =	vst v63  }
0x4b: {  	v3 =	vadd.s32 v1, v3  }
0x4c: {  	[tilespmem:s19], [sflag:$0x1] =	stream.indirect_vreg.gather [hbm4b:s12+s4], $0x80, v4, vm0, $0xb8;
	[tilespmem:$0x6080] =	vst v63  }
0x4d: {  	_ = 	snop  }
0x4e: {  	[tilespmem:s20], [sflag:$0x1] =	stream.indirect_vreg.gather [hbm4b:s13+s4], $0x80, v4, vm0, $0xb8;
	[tilespmem:$0x6080] =	vst v63  }
0x4f: {  	_ = 	snop  }
0x50: {  	[tilespmem:s21], [sflag:$0x1] =	stream.indirect_vreg.gather [hbm4b:s3+s4], $0x80, v3, vm0, $0xb8;
	[tilespmem:$0x6080] =	vst v63  }
0x51: {  	_ = 	snop  }
0x52: {  	[tilespmem:s22], [sflag:$0x1] =	stream.indirect_vreg.gather [hbm4b:s11+s4], $0x80, v3, vm0, $0xb8;
	[tilespmem:$0x6080] =	vst v63  }
0x53: {  	_ = 	snop  }
0x54: {  	[tilespmem:s23], [sflag:$0x1] =	stream.indirect_vreg.gather [hbm4b:s12+s4], $0x80, v3, vm0, $0xb8;
	[tilespmem:$0x6080] =	vst v63  }
0x55: {  	_ = 	snop  }
0x56: {  	[tilespmem:s24], [sflag:$0x1] =	stream.indirect_vreg.gather [hbm4b:s13+s4], $0x80, v3, vm0, $0xb8;
	[tilespmem:$0x6080] =	vst v63  }
0x57: {  	v3 =	vld.msk [tilespmem:$0x10], $0xff;
	_ =	sdelay $0x4  }
0x58: {  	v63 =	vshll.u32 v3, $0x3  }
0x59: {  	v3 =	vand.u32 $0x7, v3;
	v4 =	vand.u32 $0xFFFFFFC0, v63  }
0x5a: {  	v3 =	vor.u32 v3, v4  }
0x5b: {  	v3 =	vperm.xlane v3, v0;
	_ =	sdelay $0x1  }
0x5c: {  	v3 =	vadd.s32 v1, v3;
	_ =	sdelay $0x4  }
0x5d: {  	[tilespmem:s25], [sflag:$0x1] =	stream.indirect_vreg.gather [hbm4b:s3+s4], $0x80, v3, vm0, $0xb8;
	[tilespmem:$0x6080] =	vst v63  }
0x5e: {  	_ = 	snop  }
0x5f: {  	[tilespmem:s26], [sflag:$0x1] =	stream.indirect_vreg.gather [hbm4b:s11+s4], $0x80, v3, vm0, $0xb8;
	[tilespmem:$0x6080] =	vst v63  }
0x60: {  	_ = 	snop  }
0x61: {  	[tilespmem:s28], [sflag:$0x1] =	stream.indirect_vreg.gather [hbm4b:s12+s4], $0x80, v3, vm0, $0xb8;
	[tilespmem:$0x6080] =	vst v63  }
0x62: {  	_ = 	snop  }
0x63: {  	[tilespmem:s29], [sflag:$0x1] =	stream.indirect_vreg.gather [hbm4b:s13+s4], $0x80, v3, vm0, $0xb8;
	[tilespmem:$0x6080] =	vst v63  }
0x64: {  	_ =	swait.ge [sflag:s30], $0x6000  }
0x65: {  	p0 =	sne.s32 s15, $0x1;
	[sflag:s30] =	ssyncset.done $0x0  }
.Ltmp0:
0x66: {  	[sflag:s30] =	ssyncadd.s32 $0xFFFFA000;
	(pc) =	sbr.rel @p0 .LBB2_1-.Ltmp0, $4  }
0x67: {  	[hbm4b:s14+s4] =	stream.linear.scatter [tilespmem:s17], [sflag:$0x2], $0x6000, $0x38;
	[tilespmem:$0x6080] =	vst v63  }
0x68: {  	_ =	swait.ge [sflag:s16], $0x6000  }
0x69: {  	[sflag:s16] =	ssyncset.done $0x0  }
0x6a: {  	s15 =	sadd.s32 $0xFFFFFFFF, s15;
	[sflag:s16] =	ssyncadd.s32 $0xFFFFA000  }
0x6b: {  	_ =	sfence.sel $0x180000  }
0x6c: {  	[bflag:$0x0] =	sbarrier.arrive $0xFFFF  }
0x6d: {  	p0 =	sne.s32 s0, $0x0;
	_ =	strace $0x9000004A  }
0x6e: {  	s0 =	sadd.s32 @!p0 $0x100000, s2;
	[bflag:$0x2] =	sbarrier.arrive $0xFFFF  }
0x6f: {  	[sflag:s0] =	ssyncadd.tile.s32 @!p0 $0x1;
	_ =	shalt  }
.Lfunc_end2:
_tile_overlayer_lowered:
.L_overlay_start_2:
0x70: {  	(tag) =	ssettag $0x2  }
0x71: {  	s0 =	rddreg [dreg:$0x0];
	s2 =	stileid.u32  }
0x72: {  	s1 =	rddreg [dreg:$0x1];
	p0 =	sne.s32 s2, $0x0  }
0x73: {  	s3 =	rddreg [dreg:$0x2];
	[bflag:$0x3] =	sbarrier.arrive $0xFFFF;
	s2 =	simm.s32 @!p0 $0x1C02  }
0x74: {  	[timem:s3], [sflag:s2] =	dma.local @!p0 [hbm:s0], s1  }
0x75: {  	s0 =	simm.s32 @!p0 $0x2  }
0x76: {  	_ =	swait.ge @!p0 [sflag:s0], s1  }
0x77: {  	s1 =	ssub.s32 @!p0 $0x0, s1;
	[sflag:s0] =	ssyncset.done @!p0 $0x0  }
0x78: {  	[sflag:s0] =	ssyncadd.s32 @!p0 s1  }
0x79: {  	[bflag:$0x3] =	sbarrier.arrive $0xFFFF  }
0x7a: {  	_ =	shalt  }

// kernel: kernel.13.cloned.1.call-start
scs
__scs_entry_jumppad:
0x0: {  	(pc) =	sbr.rel $0x88, $3  }
0x1: {  	(tag) =	ssettag $0x0;
	lr =	simm.s32 $0x1  }
0x2: {  	[smem:$0x3F9D] =	sst lr;
	_ =	strace $0xD0000000  }
0x3: {  	_ = 	snop  }
0x4: {  	_ = 	snop  }
0x5: {  	_ = 	snop  }
0x6: {  	_ = 	snop  }
0x7: {  	_ = 	snop  }
__scs_overlays_trampoline_lowered:
0x8: {  	[smem:$0x3FAC] =	sst s0  }
0x9: {  	[smem:$0x3FAD] =	sst s1  }
0xa: {  	[smem:$0x3FAE] =	sst s2  }
0xb: {  	[smem:$0x3FAF] =	sst s3  }
0xc: {  	[smem:$0x3FB0] =	sst s4  }
0xd: {  	[smem:$0x3FB1] =	sst s5  }
0xe: {  	[smem:$0x3FB2] =	sst s6  }
0xf: {  	[smem:$0x3FB3] =	sst s7  }
0x10: {  	[smem:$0x3FB4] =	sst s8  }
0x11: {  	[smem:$0x3FB5] =	sst s9;
	s0 =	simm.s32 @!p0 $0x0  }
0x12: {  	s1 =	sld [smem:$0x3F9B];
	s0 =	simm.s32 @p0 $0x1  }
0x13: {  	[smem:$0x3FB6] =	sst s0;
	s0 =	simm.s32 @!p1 $0x0  }
0x14: {  	s2 =	sld [smem:$0x3F9A];
	s0 =	simm.s32 @p1 $0x1  }
0x15: {  	[smem:$0x3FB7] =	sst s0;
	s0 =	simm.s32 @!p2 $0x0  }
0x16: {  	s3 =	sld [smem:$0x3FDB];
	s0 =	simm.s32 @p2 $0x1  }
0x17: {  	s4 =	simm.s32 $0x1BF5;
	[smem:$0x3FB9] =	sst s0  }
0x18: {  	s0 =	sld [smem:$0x3F9C];
	_ =	swait.ge [sflag:s4], $0x0  }
0x19: {  	s7 =	sld [smem:$0x3F9D]  }
0x1a: {  	s8 =	sadd.s32 $0xFFFFE003, lr  }
0x1b: {  	s9 =	sadd.s32 $0xFFFFFEF7, lr;
	s5 =	simm.s32 $0xFFFFFFFF;
	p2 =	slt.u32 s8, $0xFFFFF086  }
0x1c: {  	p1 =	slt.u32 s9, $0xF7A;
	s5 =	simm.s32 @!p2 $0x0  }
0x1d: {  	s5 =	simm.s32 @p1 $0x1;
	p0 =	seq.s32 s7, s2  }
0x1e: {  	s7 =	smul.u32 @!p0 $0xF7A, s2;
	p2 =	seq.s32 @!p0 s5, $0x0  }
0x1f: {  	s9 =	smul.u32 $0xF7A, s1;
	s8 =	simm.s32 @!p0 $0x1BF5;
	p2 =	por !p2, p0  }
0x20: {  	[sflag:s8] =	ssyncset.s32 @!p0 $0xFFFFF086;
	s6 =	sadd.s32 @!p0 s3, s7;
	s7 =	simm.s32 @!p0 $0x108  }
0x21: {  	s3 =	sadd.s32 s3, s9;
	s6 =	sadd.s32 @!p0 $0x88, s6;
	s7 =	simm.s32 @p2 $0x1082  }
0x22: {  	[simem:s7], [sflag:s8] =	dma.local @!p0 [hbm:s6], $0xF7A  }
0x23: {  	s9 =	sor.u32 $0xD0000000, s2;
	s6 =	simm.s32 $0x108;
	_ =	swait.ge @!p0 [sflag:s8], $0x0  }
0x24: {  	s3 =	sadd.s32 $0x88, s3;
	s6 =	simm.s32 @!p1 $0x1082;
	[sflag:s4] =	ssyncset.s32 $0xFFFFF086  }
0x25: {  	[simem:s6], [sflag:s4] =	dma.local [hbm:s3], $0xF7A  }
0x26: {  	[smem:$0x3F9D] =	sst s1;
	(tag) =	ssettag s2;
	_ =	strace s9  }
0x27: {  	s1 =	sld [smem:$0x3FAD]  }
0x28: {  	s2 =	sld [smem:$0x3FAE]  }
0x29: {  	s4 =	sld [smem:$0x3FB0]  }
0x2a: {  	p0 =	seq.s32 s5, $0x0;
	s5 =	sld [smem:$0x3FB1]  }
0x2b: {  	s6 =	sld [smem:$0x3FB2]  }
0x2c: {  	s7 =	sld [smem:$0x3FB3]  }
0x2d: {  	s3 =	simm.s32 $0x108;
	s8 =	sld [smem:$0x3FB4]  }
0x2e: {  	s3 =	simm.s32 @!p0 $0x1082;
	s9 =	sld [smem:$0x3FB5]  }
0x2f: {  	lr =	sadd.s32 s0, s3;
	s0 =	sld [smem:$0x3FAC]  }
0x30: {  	s3 =	sld [smem:$0x3FAF]  }
0x31: {  	[smem:$0x3FB8] =	sst s10  }
0x32: {  	s10 =	sld [smem:$0x3FB6];
	_ =	sdelay $0x3  }
0x33: {  	p0 =	seq.s32 s10, $0x1;
	s10 =	sld [smem:$0x3FB8];
	_ =	sdelay $0x3  }
0x34: {  	[smem:$0x3FB8] =	sst s10  }
0x35: {  	s10 =	sld [smem:$0x3FB7];
	_ =	sdelay $0x3  }
0x36: {  	p1 =	seq.s32 s10, $0x1;
	s10 =	sld [smem:$0x3FB8];
	_ =	sdelay $0x3  }
0x37: {  	[smem:$0x3FB8] =	sst s10  }
0x38: {  	s10 =	sld [smem:$0x3FB9]  }
0x39: {  	_ = 	snop;
	(pc) =	sbr.ind lr, $3  }
0x3a: {  	_ = 	snop  }
0x3b: {  	_ = 	snop  }
0x3c: {  	p2 =	seq.s32 s10, $0x1;
	s10 =	sld [smem:$0x3FB8]  }
0x3d: {  	_ =	shalt  }
0x3e: {  	_ =	shalt  }
0x3f: {  	_ =	shalt  }
0x40: {  	_ =	shalt  }
0x41: {  	_ =	shalt  }
0x42: {  	_ =	shalt  }
0x43: {  	_ =	shalt  }
0x44: {  	_ =	shalt  }
0x45: {  	_ =	shalt  }
0x46: {  	_ =	shalt  }
0x47: {  	_ =	shalt  }
0x48: {  	_ =	shalt  }
0x49: {  	_ =	shalt  }
0x4a: {  	_ =	shalt  }
0x4b: {  	_ =	shalt  }
0x4c: {  	_ =	shalt  }
0x4d: {  	_ =	shalt  }
0x4e: {  	_ =	shalt  }
0x4f: {  	_ =	shalt  }
0x50: {  	_ =	shalt  }
0x51: {  	_ =	shalt  }
0x52: {  	_ =	shalt  }
0x53: {  	_ =	shalt  }
0x54: {  	_ =	shalt  }
0x55: {  	_ =	shalt  }
0x56: {  	_ =	shalt  }
0x57: {  	_ =	shalt  }
0x58: {  	_ =	shalt  }
0x59: {  	_ =	shalt  }
0x5a: {  	_ =	shalt  }
0x5b: {  	_ =	shalt  }
0x5c: {  	_ =	shalt  }
0x5d: {  	_ =	shalt  }
0x5e: {  	_ =	shalt  }
0x5f: {  	_ =	shalt  }
0x60: {  	_ =	shalt  }
0x61: {  	_ =	shalt  }
0x62: {  	_ =	shalt  }
0x63: {  	_ =	shalt  }
0x64: {  	_ =	shalt  }
0x65: {  	_ =	shalt  }
0x66: {  	_ =	shalt  }
0x67: {  	_ =	shalt  }
0x68: {  	_ =	shalt  }
0x69: {  	_ =	shalt  }
0x6a: {  	_ =	shalt  }
0x6b: {  	_ =	shalt  }
0x6c: {  	_ =	shalt  }
0x6d: {  	_ =	shalt  }
0x6e: {  	_ =	shalt  }
0x6f: {  	_ =	shalt  }
0x70: {  	_ =	shalt  }
0x71: {  	_ =	shalt  }
0x72: {  	_ =	shalt  }
0x73: {  	_ =	shalt  }
0x74: {  	_ =	shalt  }
0x75: {  	_ =	shalt  }
0x76: {  	_ =	shalt  }
0x77: {  	_ =	shalt  }
0x78: {  	_ =	shalt  }
0x79: {  	_ =	shalt  }
0x7a: {  	_ =	shalt  }
0x7b: {  	_ =	shalt  }
0x7c: {  	_ =	shalt  }
0x7d: {  	_ =	shalt  }
0x7e: {  	_ =	shalt  }
0x7f: {  	_ =	shalt  }
0x80: {  	_ =	shalt  }
0x81: {  	_ =	shalt  }
0x82: {  	_ =	shalt  }
0x83: {  	_ =	shalt  }
0x84: {  	_ =	shalt  }
0x85: {  	_ =	shalt  }
0x86: {  	_ =	shalt  }
0x87: {  	_ =	shalt  }
.Lfunc_end0:
.L_simem_size_0:
called_computation.2_lowered:
.L_overlay_start_0:
0x88: {  	s2 =	sld [smem:$0x3FD9]  }
0x89: {  	s3 =	sld [smem:$0x3FFE];
	_ =	sdelay $0x1  }
0x8a: {  	s1 =	srdreg.scid  }
0x8b: {  	s0 =	sand.u32 $0x1, s1  }
0x8c: {  	s17 =	sshll.u32 s0, $0xA;
	s2 =	sadd.s32 s3, s2  }
0x8d: {  	s2 =	sadd.s32 s2, s17  }
0x8e: {  	[smem:$0x3FC4] =	sst s2  }
0x8f: {  	_ = 	snop  }
0x90: {  	s18 =	sld [smem:$0x3FC9];
	(tm) =	ssettm $0x1  }
0x91: {  	s19 =	sld [smem:$0x3FFB];
	_ =	sdelay $0x3  }
0x92: {  	_ =	strace s19  }
0x93: {  	s2 =	sld [smem:$0x3FFC];
	_ =	sdelay $0x3  }
0x94: {  	_ =	strace s2  }
0x95: {  	s2 =	sld [smem:$0x3FFD];
	_ =	sdelay $0x3  }
0x96: {  	_ =	strace s2  }
0x97: {  	_ =	strace $0x8FFFFFFF  }
0x98: {  	s20 =	sld [smem:$0x3FDB];
	_ =	sdelay $0x1  }
0x99: {  	s4 =	simm.s32 $_scs_section_size  }
0x9a: {  	s5 =	simm.s32 $_size__tile_overlayer_lowered;
	s6 =	simm.s32 $_tile_overlayer_lowered  }
0x9b: {  	s7 =	simm.s32 $0x1BFF;
	s21 =	sshll.u32 s6, $0x1;
	s4 =	sadd.s32 s4, s20  }
0x9c: {  	s22 =	simm.s32 $0x0;
	s5 =	sshll.u32 s5, $0x1;
	s6 =	sadd.s32 s21, s4  }
0x9d: {  	[timem:s22], [sflag:s7] =	dma.local [hbm:s6], s5  }
0x9e: {  	_ =	swait.ge [sflag:s7], s5  }
0x9f: {  	s5 =	ssub.s32 $0x0, s5;
	[sflag:s7] =	ssyncset.done $0x0  }
0xa0: {  	[sflag:s7] =	ssyncadd.s32 s5;
	_ =	sdelay $0x1  }
0xa1: {  	s23 =	simm.s32 $0x1B8B  }
0xa2: {  	_ =	swait.ge [sflag:s23], $0x1  }
0xa3: {  	[sflag:s23] =	ssyncset.done $0x0  }
0xa4: {  	[sflag:s23] =	ssyncadd.s32 $0xFFFFFFFF  }
0xa5: {  	s5 =	sld [smem:$0x0]  }
0xa6: {  	s6 =	sand.u32 $0xFFFFFFFE, s1  }
0xa7: {  	p0 =	sne.s32 s1, s6  }
0xa8: {  	s6 =	sshll.u32 @p0 s6, $0xE  }
0xa9: {  	s6 =	sadd.s32 @p0 $0x11B8D, s6;
	s7 =	sshll.u32 @p0 s5, $0x11  }
0xaa: {  	s6 =	sor.u32 @p0 s7, s6  }
0xab: {  	[sflag:s6] =	ssyncadd.remote.s32 @p0 $0x1;
	_ =	sdelay $0x1  }
0xac: {  	s6 =	simm.s32 @p0 $0x1B8D  }
0xad: {  	_ =	swait.eq @p0 [sflag:s6], $0x1  }
0xae: {  	[sflag:s6] =	ssyncadd.s32 @p0 $0xFFFFFFFF  }
0xaf: {  	s7 =	sshll.u32 @!p0 s1, $0xE  }
0xb0: {  	s7 =	sor.u32 @!p0 $0x4000, s7;
	s6 =	simm.s32 @!p0 $0x1B8D  }
0xb1: {  	s5 =	sshll.u32 @!p0 s5, $0x11;
	s7 =	sadd.s32 @!p0 $0x11B8D, s7;
	_ =	swait.eq @!p0 [sflag:s6], $0x1  }
0xb2: {  	s5 =	sor.u32 @!p0 s5, s7;
	[sflag:s6] =	ssyncadd.s32 @!p0 $0xFFFFFFFF  }
0xb3: {  	s25 =	simm.s32 $0x1B8E;
	s24 =	sld [smem:$0x3FFE];
	[sflag:s5] =	ssyncadd.remote.s32 @!p0 $0x1  }
0xb4: {  	s26 =	simm.s32 $execute0_lowered;
	[smem:$0x3FD2] =	sst s25  }
0xb5: {  	s6 =	sshll.u32 s26, $0x1;
	_ =	strace $0x8000004C;
	[dreg:$0x1] =	wrdreg $0xFFFFFFFF  }
0xb6: {  	s28 =	simm.s32 $_size_execute0_lowered;
	s4 =	sadd.s32 s4, s6;
	[dreg:$0x0] =	wrdreg $0x0  }
0xb7: {  	s6 =	sshll.u32 s28, $0x1;
	[dreg:$0x2] =	wrdreg s4  }
0xb8: {  	[dreg:$0x3] =	wrdreg s6  }
0xb9: {  	[dreg:$0x4] =	wrdreg $0xC0  }
0xba: {  	_ =	task [dreg:s22], $0x5FFFF  }
0xbb: {  	[dreg:$0x1] =	wrdreg $0xFFFFFFFF  }
0xbc: {  	[dreg:$0x0] =	wrdreg $0x60  }
0xbd: {  	[dreg:$0x2] =	wrdreg s18  }
0xbe: {  	[dreg:$0x3] =	wrdreg s24  }
0xbf: {  	[dreg:$0x4] =	wrdreg $0xA  }
0xc0: {  	_ =	task.clear_ibuf [dreg:s22], $0x5FFFF;
	_ =	strace $0x9000004C  }
0xc1: {  	s29 =	simm.s32 $0xA;
	_ =	strace $0x8000004E  }
0xc2: {  	_ =	swait.ge [sflag:s29], $0x1  }
0xc3: {  	[sflag:s29] =	ssyncadd.s32 $0xFFFFFFFF  }
0xc4: {  	_ =	strace $0x9000004E  }
0xc5: {  	_ =	sfence  }
0xc6: {  	s30 =	sld [smem:$0x0];
	_ =	sdelay $0x2  }
0xc7: {  	s31 =	sshll.u32 s1, $0xD;
	s1 =	sshrl.u32 s1, $0x2  }
0xc8: {  	s4 =	sand.u32 $0x4000, s31;
	s1 =	sadd.s32 s1, s30  }
0xc9: {  	s0 =	sor.u32 s4, s0;
	s1 =	sshll.u32 s1, $0x11  }
0xca: {  	s0 =	sor.u32 s1, s0  }
0xcb: {  	s0 =	sadd.s32 $0x8F2B, s0  }
0xcc: {  	[sflag:s0] =	ssyncadd.remote.s32 $0x1  }
0xcd: {  	_ =	sfence.sel $0xFFFF  }
0xce: {  	[dreg:$0x0] =	wrdreg $0xFFFFFFFF;
	(pc) =	sbr.abs _section_cstart, $3  }
0xcf: {  	[dreg:$0x1] =	wrdreg $0xFFFFFFFF  }
0xd0: {  	_ =	task.clear_ibuf [dreg:s22], $0x2FFFF;
	_ =	strace $0x9FFFFFFF  }
0xd1: {  	(tm) =	ssettm $0x7FFFFFFF  }
tec
execute0_lowered:
.L_overlay_start_1:
0x0: {  	(tag) =	ssettag $0x1  }
0x1: {  	s1 =	rddreg [dreg:$0x0]  }
0x2: {  	s4 =	rddreg [dreg:$0x1]  }
0x3: {  	s0 =	rddreg [dreg:$0x2];
	s5 =	srdreg.scid  }
0x4: {  	s3 =	simm.s32 $0x0;
	s2 =	stileid.u32;
	s11 =	simm.s32 $0x80  }
0x5: {  	s12 =	simm.s32 $0x880;
	s13 =	simm.s32 $0x1080;
	s14 =	simm.s32 $0x1880  }
0x6: {  	s15 =	simm.s32 $0x2080;
	s16 =	simm.s32 $0x2880;
	s17 =	simm.s32 $0x3080  }
0x7: {  	s18 =	simm.s32 $0x3880;
	s19 =	simm.s32 $0x4080;
	s20 =	simm.s32 $0x4880  }
0x8: {  	s21 =	simm.s32 $0x5080;
	s22 =	simm.s32 $0x5880;
	s23 =	simm.s32 $0x6080  }
0x9: {  	s24 =	simm.s32 $0x6880;
	s25 =	simm.s32 $0x7080;
	s26 =	simm.s32 $0x7880  }
0xa: {  	s28 =	simm.s32 $0x1;
	s5 =	sand.u32 $0x1, s5;
	[smem:$0x7FF] =	sst s3  }
0xb: {  	s6 =	sshll.u32 s2, $0x6;
	s7 =	sshll.u32 s5, $0x5;
	s5 =	ssub.s32 $0x2, s5  }
0xc: {  	_ =	strace $0x8000004D;
	s6 =	sor.u32 s7, s6;
	s8 =	sshrl.u32 s5, $0x1  }
0xd: {  	s7 =	sshrl.u32 s6, $0x3;
	s6 =	sshll.u32 s6, $0x7;
	s10 =	ssub.s32 s5, s8  }
0xe: {  	v2 =	vlaneseq.u32;
	s5 =	sadd.s32 $0x100, s1;
	s7 =	sadd.s32 s7, s4;
	s9 =	sadd.s32 s6, s4  }
0xf: {  	vm0 =	vmmov $0xffff;
	v1 =	vshrl.u32 v2, $0x3;
	s6 =	sadd.s32 $0x200, s1;
	s4 =	sadd.s32 $0x3600, s7;
	s7 =	sadd.s32 $0x300, s1  }
0x10: {  	v0 =	vand.u32 $0x7, v2;
	v2 =	vor.u32 $0x8, v2;
	v1 =	vmul.u32 $0x8, v1;
	s8 =	sadd.s32 $0x43E00, s9;
	s9 =	smax.u32 s10, $0x1;
	s10 =	simm.s32 $0x2  }
.LBB2_1:
0x11: {  	[tilespmem:s3], [sflag:$0x2] =	stream.linear.gather [hbm4b:s4+s3], $0x20, $0x38;
	[tilespmem:$0x8080] =	vst v63  }
0x12: {  	_ =	swait.ge [sflag:s10], $0x20  }
0x13: {  	[sflag:s10] =	ssyncset.done $0x0  }
0x14: {  	[sflag:s10] =	ssyncadd.s32 $0xFFFFFFE0  }
0x15: {  	v3 =	vld [tilespmem:$0x0];
	_ =	sdelay $0x4  }
0x16: {  	v4 =	vshll.u32 v3, $0x3  }
0x17: {  	v3 =	vand.u32 $0x7, v3;
	v4 =	vand.u32 $0xFFFFFFC0, v4  }
0x18: {  	v3 =	vor.u32 v3, v4  }
0x19: {  	v4 =	vperm.xlane v3, v0;
	_ =	sdelay $0x1  }
0x1a: {  	v4 =	vadd.s32 v1, v4;
	_ =	sdelay $0x4  }
0x1b: {  	[tilespmem:s11], [sflag:$0x1] =	stream.indirect_vreg.gather [hbm4b:s1+s3], $0x80, v4, vm0, $0xb8;
	[tilespmem:$0x8080] =	vst v63  }
0x1c: {  	v3 =	vperm.xlane v3, v2  }
0x1d: {  	[tilespmem:s12], [sflag:$0x1] =	stream.indirect_vreg.gather [hbm4b:s5+s3], $0x80, v4, vm0, $0xb8;
	[tilespmem:$0x8080] =	vst v63  }
0x1e: {  	v3 =	vadd.s32 v1, v3  }
0x1f: {  	[tilespmem:s13], [sflag:$0x1] =	stream.indirect_vreg.gather [hbm4b:s6+s3], $0x80, v4, vm0, $0xb8;
	[tilespmem:$0x8080] =	vst v63  }
0x20: {  	_ = 	snop  }
0x21: {  	[tilespmem:s14], [sflag:$0x1] =	stream.indirect_vreg.gather [hbm4b:s7+s3], $0x80, v4, vm0, $0xb8;
	[tilespmem:$0x8080] =	vst v63  }
0x22: {  	_ = 	snop  }
0x23: {  	[tilespmem:s15], [sflag:$0x1] =	stream.indirect_vreg.gather [hbm4b:s1+s3], $0x80, v3, vm0, $0xb8;
	[tilespmem:$0x8080] =	vst v63  }
0x24: {  	_ = 	snop  }
0x25: {  	[tilespmem:s16], [sflag:$0x1] =	stream.indirect_vreg.gather [hbm4b:s5+s3], $0x80, v3, vm0, $0xb8;
	[tilespmem:$0x8080] =	vst v63  }
0x26: {  	_ = 	snop  }
0x27: {  	[tilespmem:s17], [sflag:$0x1] =	stream.indirect_vreg.gather [hbm4b:s6+s3], $0x80, v3, vm0, $0xb8;
	[tilespmem:$0x8080] =	vst v63  }
0x28: {  	_ = 	snop  }
0x29: {  	[tilespmem:s18], [sflag:$0x1] =	stream.indirect_vreg.gather [hbm4b:s7+s3], $0x80, v3, vm0, $0xb8;
	[tilespmem:$0x8080] =	vst v63  }
0x2a: {  	v3 =	vld [tilespmem:$0x10];
	_ =	sdelay $0x4  }
0x2b: {  	v63 =	vshll.u32 v3, $0x3  }
0x2c: {  	v3 =	vand.u32 $0x7, v3;
	v4 =	vand.u32 $0xFFFFFFC0, v63  }
0x2d: {  	v3 =	vor.u32 v3, v4  }
0x2e: {  	v4 =	vperm.xlane v3, v0;
	_ =	sdelay $0x1  }
0x2f: {  	v4 =	vadd.s32 v1, v4;
	_ =	sdelay $0x4  }
0x30: {  	[tilespmem:s19], [sflag:$0x1] =	stream.indirect_vreg.gather [hbm4b:s1+s3], $0x80, v4, vm0, $0xb8;
	[tilespmem:$0x8080] =	vst v63  }
0x31: {  	v3 =	vperm.xlane v3, v2  }
0x32: {  	[tilespmem:s20], [sflag:$0x1] =	stream.indirect_vreg.gather [hbm4b:s5+s3], $0x80, v4, vm0, $0xb8;
	[tilespmem:$0x8080] =	vst v63  }
0x33: {  	v3 =	vadd.s32 v1, v3  }
0x34: {  	[tilespmem:s21], [sflag:$0x1] =	stream.indirect_vreg.gather [hbm4b:s6+s3], $0x80, v4, vm0, $0xb8;
	[tilespmem:$0x8080] =	vst v63  }
0x35: {  	_ = 	snop  }
0x36: {  	[tilespmem:s22], [sflag:$0x1] =	stream.indirect_vreg.gather [hbm4b:s7+s3], $0x80, v4, vm0, $0xb8;
	[tilespmem:$0x8080] =	vst v63  }
0x37: {  	_ = 	snop  }
0x38: {  	[tilespmem:s23], [sflag:$0x1] =	stream.indirect_vreg.gather [hbm4b:s1+s3], $0x80, v3, vm0, $0xb8;
	[tilespmem:$0x8080] =	vst v63  }
0x39: {  	_ = 	snop  }
0x3a: {  	[tilespmem:s24], [sflag:$0x1] =	stream.indirect_vreg.gather [hbm4b:s5+s3], $0x80, v3, vm0, $0xb8;
	[tilespmem:$0x8080] =	vst v63  }
0x3b: {  	_ = 	snop  }
0x3c: {  	[tilespmem:s25], [sflag:$0x1] =	stream.indirect_vreg.gather [hbm4b:s6+s3], $0x80, v3, vm0, $0xb8;
	[tilespmem:$0x8080] =	vst v63  }
0x3d: {  	_ = 	snop  }
0x3e: {  	[tilespmem:s26], [sflag:$0x1] =	stream.indirect_vreg.gather [hbm4b:s7+s3], $0x80, v3, vm0, $0xb8;
	[tilespmem:$0x8080] =	vst v63  }
0x3f: {  	_ =	swait.ge [sflag:s28], $0x8000  }
0x40: {  	p0 =	sne.s32 s9, $0x1;
	[sflag:s28] =	ssyncset.done $0x0  }
.Ltmp0:
0x41: {  	[sflag:s28] =	ssyncadd.s32 $0xFFFF8000;
	(pc) =	sbr.rel @p0 .LBB2_1-.Ltmp0, $4  }
0x42: {  	[hbm4b:s8+s3] =	stream.linear.scatter [tilespmem:s11], [sflag:$0x2], $0x8000, $0x38;
	[tilespmem:$0x8080] =	vst v63  }
0x43: {  	_ =	swait.ge [sflag:s10], $0x8000  }
0x44: {  	[sflag:s10] =	ssyncset.done $0x0  }
0x45: {  	s9 =	sadd.s32 $0xFFFFFFFF, s9;
	[sflag:s10] =	ssyncadd.s32 $0xFFFF8000  }
0x46: {  	_ =	sfence.sel $0x180000  }
0x47: {  	[bflag:$0x0] =	sbarrier.arrive $0xFFFF  }
0x48: {  	p0 =	sne.s32 s2, $0x0;
	_ =	strace $0x9000004D  }
0x49: {  	s0 =	sadd.s32 @!p0 $0x100000, s0;
	[bflag:$0x2] =	sbarrier.arrive $0xFFFF  }
0x4a: {  	[sflag:s0] =	ssyncadd.tile.s32 @!p0 $0x1;
	_ =	shalt  }
.Lfunc_end2:
_tile_overlayer_lowered:
.L_overlay_start_2:
0x4b: {  	(tag) =	ssettag $0x2  }
0x4c: {  	s0 =	rddreg [dreg:$0x0];
	s2 =	stileid.u32  }
0x4d: {  	s1 =	rddreg [dreg:$0x1];
	p0 =	sne.s32 s2, $0x0  }
0x4e: {  	s3 =	rddreg [dreg:$0x2];
	[bflag:$0x3] =	sbarrier.arrive $0xFFFF;
	s2 =	simm.s32 @!p0 $0x1C02  }
0x4f: {  	[timem:s3], [sflag:s2] =	dma.local @!p0 [hbm:s0], s1  }
0x50: {  	s0 =	simm.s32 @!p0 $0x2  }
0x51: {  	_ =	swait.ge @!p0 [sflag:s0], s1  }
0x52: {  	s1 =	ssub.s32 @!p0 $0x0, s1;
	[sflag:s0] =	ssyncset.done @!p0 $0x0  }
0x53: {  	[sflag:s0] =	ssyncadd.s32 @!p0 s1  }
0x54: {  	[bflag:$0x3] =	sbarrier.arrive $0xFFFF  }
0x55: {  	_ =	shalt  }

// kernel: kernel.7.cloned.1.call-start
scs
__scs_entry_jumppad:
0x0: {  	(pc) =	sbr.rel $0x88, $3  }
0x1: {  	(tag) =	ssettag $0x0;
	lr =	simm.s32 $0x1  }
0x2: {  	[smem:$0x3F9D] =	sst lr;
	_ =	strace $0xD0000000  }
0x3: {  	_ = 	snop  }
0x4: {  	_ = 	snop  }
0x5: {  	_ = 	snop  }
0x6: {  	_ = 	snop  }
0x7: {  	_ = 	snop  }
__scs_overlays_trampoline_lowered:
0x8: {  	[smem:$0x3FAC] =	sst s0  }
0x9: {  	[smem:$0x3FAD] =	sst s1  }
0xa: {  	[smem:$0x3FAE] =	sst s2  }
0xb: {  	[smem:$0x3FAF] =	sst s3  }
0xc: {  	[smem:$0x3FB0] =	sst s4  }
0xd: {  	[smem:$0x3FB1] =	sst s5  }
0xe: {  	[smem:$0x3FB2] =	sst s6  }
0xf: {  	[smem:$0x3FB3] =	sst s7  }
0x10: {  	[smem:$0x3FB4] =	sst s8  }
0x11: {  	[smem:$0x3FB5] =	sst s9;
	s0 =	simm.s32 @!p0 $0x0  }
0x12: {  	s1 =	sld [smem:$0x3F9B];
	s0 =	simm.s32 @p0 $0x1  }
0x13: {  	[smem:$0x3FB6] =	sst s0;
	s0 =	simm.s32 @!p1 $0x0  }
0x14: {  	s2 =	sld [smem:$0x3F9A];
	s0 =	simm.s32 @p1 $0x1  }
0x15: {  	[smem:$0x3FB7] =	sst s0;
	s0 =	simm.s32 @!p2 $0x0  }
0x16: {  	s3 =	sld [smem:$0x3FDB];
	s0 =	simm.s32 @p2 $0x1  }
0x17: {  	s4 =	simm.s32 $0x1BF5;
	[smem:$0x3FB9] =	sst s0  }
0x18: {  	s0 =	sld [smem:$0x3F9C];
	_ =	swait.ge [sflag:s4], $0x0  }
0x19: {  	s7 =	sld [smem:$0x3F9D]  }
0x1a: {  	s8 =	sadd.s32 $0xFFFFE003, lr  }
0x1b: {  	s9 =	sadd.s32 $0xFFFFFEF7, lr;
	s5 =	simm.s32 $0xFFFFFFFF;
	p2 =	slt.u32 s8, $0xFFFFF086  }
0x1c: {  	p1 =	slt.u32 s9, $0xF7A;
	s5 =	simm.s32 @!p2 $0x0  }
0x1d: {  	s5 =	simm.s32 @p1 $0x1;
	p0 =	seq.s32 s7, s2  }
0x1e: {  	s7 =	smul.u32 @!p0 $0xF7A, s2;
	p2 =	seq.s32 @!p0 s5, $0x0  }
0x1f: {  	s9 =	smul.u32 $0xF7A, s1;
	s8 =	simm.s32 @!p0 $0x1BF5;
	p2 =	por !p2, p0  }
0x20: {  	[sflag:s8] =	ssyncset.s32 @!p0 $0xFFFFF086;
	s6 =	sadd.s32 @!p0 s3, s7;
	s7 =	simm.s32 @!p0 $0x108  }
0x21: {  	s3 =	sadd.s32 s3, s9;
	s6 =	sadd.s32 @!p0 $0x88, s6;
	s7 =	simm.s32 @p2 $0x1082  }
0x22: {  	[simem:s7], [sflag:s8] =	dma.local @!p0 [hbm:s6], $0xF7A  }
0x23: {  	s9 =	sor.u32 $0xD0000000, s2;
	s6 =	simm.s32 $0x108;
	_ =	swait.ge @!p0 [sflag:s8], $0x0  }
0x24: {  	s3 =	sadd.s32 $0x88, s3;
	s6 =	simm.s32 @!p1 $0x1082;
	[sflag:s4] =	ssyncset.s32 $0xFFFFF086  }
0x25: {  	[simem:s6], [sflag:s4] =	dma.local [hbm:s3], $0xF7A  }
0x26: {  	[smem:$0x3F9D] =	sst s1;
	(tag) =	ssettag s2;
	_ =	strace s9  }
0x27: {  	s1 =	sld [smem:$0x3FAD]  }
0x28: {  	s2 =	sld [smem:$0x3FAE]  }
0x29: {  	s4 =	sld [smem:$0x3FB0]  }
0x2a: {  	p0 =	seq.s32 s5, $0x0;
	s5 =	sld [smem:$0x3FB1]  }
0x2b: {  	s6 =	sld [smem:$0x3FB2]  }
0x2c: {  	s7 =	sld [smem:$0x3FB3]  }
0x2d: {  	s3 =	simm.s32 $0x108;
	s8 =	sld [smem:$0x3FB4]  }
0x2e: {  	s3 =	simm.s32 @!p0 $0x1082;
	s9 =	sld [smem:$0x3FB5]  }
0x2f: {  	lr =	sadd.s32 s0, s3;
	s0 =	sld [smem:$0x3FAC]  }
0x30: {  	s3 =	sld [smem:$0x3FAF]  }
0x31: {  	[smem:$0x3FB8] =	sst s10  }
0x32: {  	s10 =	sld [smem:$0x3FB6];
	_ =	sdelay $0x3  }
0x33: {  	p0 =	seq.s32 s10, $0x1;
	s10 =	sld [smem:$0x3FB8];
	_ =	sdelay $0x3  }
0x34: {  	[smem:$0x3FB8] =	sst s10  }
0x35: {  	s10 =	sld [smem:$0x3FB7];
	_ =	sdelay $0x3  }
0x36: {  	p1 =	seq.s32 s10, $0x1;
	s10 =	sld [smem:$0x3FB8];
	_ =	sdelay $0x3  }
0x37: {  	[smem:$0x3FB8] =	sst s10  }
0x38: {  	s10 =	sld [smem:$0x3FB9]  }
0x39: {  	_ = 	snop;
	(pc) =	sbr.ind lr, $3  }
0x3a: {  	_ = 	snop  }
0x3b: {  	_ = 	snop  }
0x3c: {  	p2 =	seq.s32 s10, $0x1;
	s10 =	sld [smem:$0x3FB8]  }
0x3d: {  	_ =	shalt  }
0x3e: {  	_ =	shalt  }
0x3f: {  	_ =	shalt  }
0x40: {  	_ =	shalt  }
0x41: {  	_ =	shalt  }
0x42: {  	_ =	shalt  }
0x43: {  	_ =	shalt  }
0x44: {  	_ =	shalt  }
0x45: {  	_ =	shalt  }
0x46: {  	_ =	shalt  }
0x47: {  	_ =	shalt  }
0x48: {  	_ =	shalt  }
0x49: {  	_ =	shalt  }
0x4a: {  	_ =	shalt  }
0x4b: {  	_ =	shalt  }
0x4c: {  	_ =	shalt  }
0x4d: {  	_ =	shalt  }
0x4e: {  	_ =	shalt  }
0x4f: {  	_ =	shalt  }
0x50: {  	_ =	shalt  }
0x51: {  	_ =	shalt  }
0x52: {  	_ =	shalt  }
0x53: {  	_ =	shalt  }
0x54: {  	_ =	shalt  }
0x55: {  	_ =	shalt  }
0x56: {  	_ =	shalt  }
0x57: {  	_ =	shalt  }
0x58: {  	_ =	shalt  }
0x59: {  	_ =	shalt  }
0x5a: {  	_ =	shalt  }
0x5b: {  	_ =	shalt  }
0x5c: {  	_ =	shalt  }
0x5d: {  	_ =	shalt  }
0x5e: {  	_ =	shalt  }
0x5f: {  	_ =	shalt  }
0x60: {  	_ =	shalt  }
0x61: {  	_ =	shalt  }
0x62: {  	_ =	shalt  }
0x63: {  	_ =	shalt  }
0x64: {  	_ =	shalt  }
0x65: {  	_ =	shalt  }
0x66: {  	_ =	shalt  }
0x67: {  	_ =	shalt  }
0x68: {  	_ =	shalt  }
0x69: {  	_ =	shalt  }
0x6a: {  	_ =	shalt  }
0x6b: {  	_ =	shalt  }
0x6c: {  	_ =	shalt  }
0x6d: {  	_ =	shalt  }
0x6e: {  	_ =	shalt  }
0x6f: {  	_ =	shalt  }
0x70: {  	_ =	shalt  }
0x71: {  	_ =	shalt  }
0x72: {  	_ =	shalt  }
0x73: {  	_ =	shalt  }
0x74: {  	_ =	shalt  }
0x75: {  	_ =	shalt  }
0x76: {  	_ =	shalt  }
0x77: {  	_ =	shalt  }
0x78: {  	_ =	shalt  }
0x79: {  	_ =	shalt  }
0x7a: {  	_ =	shalt  }
0x7b: {  	_ =	shalt  }
0x7c: {  	_ =	shalt  }
0x7d: {  	_ =	shalt  }
0x7e: {  	_ =	shalt  }
0x7f: {  	_ =	shalt  }
0x80: {  	_ =	shalt  }
0x81: {  	_ =	shalt  }
0x82: {  	_ =	shalt  }
0x83: {  	_ =	shalt  }
0x84: {  	_ =	shalt  }
0x85: {  	_ =	shalt  }
0x86: {  	_ =	shalt  }
0x87: {  	_ =	shalt  }
.Lfunc_end0:
.L_simem_size_0:
called_computation_lowered:
.L_overlay_start_0:
0x88: {  	s2 =	sld [smem:$0x3FD9]  }
0x89: {  	s3 =	sld [smem:$0x3FFE];
	_ =	sdelay $0x1  }
0x8a: {  	s1 =	srdreg.scid  }
0x8b: {  	s0 =	sand.u32 $0x1, s1  }
0x8c: {  	s17 =	sshll.u32 s0, $0xA;
	s2 =	sadd.s32 s3, s2  }
0x8d: {  	s2 =	sadd.s32 s2, s17  }
0x8e: {  	[smem:$0x3FC4] =	sst s2  }
0x8f: {  	_ = 	snop  }
0x90: {  	s2 =	sld [smem:$0x3FC9]  }
0x91: {  	s18 =	sld [smem:$0x3FC8];
	(tm) =	ssettm $0x1  }
0x92: {  	s4 =	sld [smem:$0x3FFB];
	_ =	sdelay $0x3  }
0x93: {  	_ =	strace s4  }
0x94: {  	s4 =	sld [smem:$0x3FFC];
	_ =	sdelay $0x3  }
0x95: {  	_ =	strace s4  }
0x96: {  	s4 =	sld [smem:$0x3FFD];
	_ =	sdelay $0x3  }
0x97: {  	_ =	strace s4  }
0x98: {  	_ =	strace $0x8FFFFFFF  }
0x99: {  	s19 =	sld [smem:$0x3FDB];
	_ =	sdelay $0x1  }
0x9a: {  	s5 =	simm.s32 $_scs_section_size  }
0x9b: {  	s6 =	simm.s32 $_size__tile_overlayer_lowered;
	s7 =	simm.s32 $_tile_overlayer_lowered  }
0x9c: {  	s22 =	simm.s32 $0x1BFF;
	s21 =	sshll.u32 s7, $0x1;
	s4 =	sadd.s32 s5, s19  }
0x9d: {  	s8 =	simm.s32 $0x0;
	s20 =	sshll.u32 s6, $0x1;
	s6 =	sadd.s32 s21, s4  }
0x9e: {  	[timem:s8], [sflag:s22] =	dma.local [hbm:s6], s20  }
0x9f: {  	_ =	swait.ge [sflag:s22], s20  }
0xa0: {  	s5 =	ssub.s32 $0x0, s20;
	[sflag:s22] =	ssyncset.done $0x0  }
0xa1: {  	[sflag:s22] =	ssyncadd.s32 s5;
	_ =	sdelay $0x1  }
0xa2: {  	s23 =	simm.s32 $0x1B8B  }
0xa3: {  	_ =	swait.ge [sflag:s23], $0x1  }
0xa4: {  	[sflag:s23] =	ssyncset.done $0x0  }
0xa5: {  	s25 =	simm.s32 $0x1B8E;
	s24 =	sld [smem:$0x3FFE];
	[sflag:s23] =	ssyncadd.s32 $0xFFFFFFFF  }
0xa6: {  	s26 =	simm.s32 $execute0_lowered;
	[smem:$0x3FD2] =	sst s25  }
0xa7: {  	s6 =	sshll.u32 s26, $0x1;
	_ =	strace $0x80000046;
	[dreg:$0x1] =	wrdreg $0xFFFFFFFF  }
0xa8: {  	s28 =	simm.s32 $_size_execute0_lowered;
	s4 =	sadd.s32 s4, s6;
	[dreg:$0x0] =	wrdreg $0x0  }
0xa9: {  	s6 =	sshll.u32 s28, $0x1;
	[dreg:$0x2] =	wrdreg s4  }
0xaa: {  	[dreg:$0x3] =	wrdreg s6  }
0xab: {  	[dreg:$0x4] =	wrdreg $0xC0  }
0xac: {  	_ =	task [dreg:s8], $0x5FFFF  }
0xad: {  	[dreg:$0x1] =	wrdreg $0xFFFFFFFF  }
0xae: {  	[dreg:$0x0] =	wrdreg $0x60  }
0xaf: {  	[dreg:$0x2] =	wrdreg s2  }
0xb0: {  	[dreg:$0x3] =	wrdreg s24  }
0xb1: {  	[dreg:$0x4] =	wrdreg s18  }
0xb2: {  	[dreg:$0x5] =	wrdreg $0xA  }
0xb3: {  	_ =	task.clear_ibuf [dreg:s8], $0x6FFFF;
	_ =	strace $0x90000046  }
0xb4: {  	s29 =	simm.s32 $0xA;
	_ =	strace $0x80000048  }
0xb5: {  	_ =	swait.ge [sflag:s29], $0x1  }
0xb6: {  	[sflag:s29] =	ssyncadd.s32 $0xFFFFFFFF  }
0xb7: {  	_ =	strace $0x90000048  }
0xb8: {  	_ =	sfence  }
0xb9: {  	s30 =	sld [smem:$0x0];
	_ =	sdelay $0x2  }
0xba: {  	s31 =	sshll.u32 s1, $0xD;
	s1 =	sshrl.u32 s1, $0x2  }
0xbb: {  	s3 =	sand.u32 $0x4000, s31;
	s1 =	sadd.s32 s1, s30  }
0xbc: {  	s0 =	sor.u32 s3, s0;
	s1 =	sshll.u32 s1, $0x11  }
0xbd: {  	s0 =	sor.u32 s1, s0  }
0xbe: {  	s0 =	sadd.s32 $0x8F2B, s0  }
0xbf: {  	[sflag:s0] =	ssyncadd.remote.s32 $0x1  }
0xc0: {  	_ =	sfence.sel $0xFFFF  }
0xc1: {  	[dreg:$0x0] =	wrdreg $0xFFFFFFFF;
	(pc) =	sbr.abs _section_cstart, $3  }
0xc2: {  	[dreg:$0x1] =	wrdreg $0xFFFFFFFF  }
0xc3: {  	_ =	task.clear_ibuf [dreg:s8], $0x2FFFF;
	_ =	strace $0x9FFFFFFF  }
0xc4: {  	(tm) =	ssettm $0x7FFFFFFF  }
0xc5: {  	_ =	shalt  }
tec
execute0_lowered:
.L_overlay_start_1:
0x0: {  	(tag) =	ssettag $0x1  }
0x1: {  	s1 =	rddreg [dreg:$0x0]  }
0x2: {  	s5 =	rddreg [dreg:$0x1]  }
0x3: {  	s3 =	rddreg [dreg:$0x2]  }
0x4: {  	s0 =	rddreg [dreg:$0x3]  }
0x5: {  	s6 =	srdreg.scid;
	s4 =	simm.s32 $0x0;
	s2 =	stileid.u32  }
0x6: {  	s16 =	simm.s32 $0x2;
	s17 =	simm.s32 $0x80;
	s18 =	simm.s32 $0x880  }
0x7: {  	s19 =	simm.s32 $0x1080;
	s20 =	simm.s32 $0x1880;
	s21 =	simm.s32 $0x1  }
0x8: {  	s6 =	sand.u32 $0x1, s6;
	[smem:$0x7FF] =	sst s4;
	s7 =	sshll.u32 s2, $0x4  }
0x9: {  	s11 =	sadd.s32 $0x100, s3;
	s12 =	sadd.s32 $0x200, s3;
	s8 =	sshll.u32 s6, $0x3  }
0xa: {  	s13 =	sadd.s32 $0x300, s3;
	s6 =	ssub.s32 $0x2, s6;
	s7 =	sor.u32 s8, s7  }
0xb: {  	_ =	strace $0x80000047;
	s31 =	sshrl.u32 s6, $0x1;
	s8 =	sshrl.u32 s7, $0x3  }
0xc: {  	s7 =	sshll.u32 s7, $0x7;
	s15 =	ssub.s32 s6, s31;
	s6 =	sadd.s32 $0x100, s1  }
0xd: {  	v0 =	vlaneseq.u32;
	s10 =	sadd.s32 s8, s5;
	s14 =	sadd.s32 s7, s5;
	s7 =	sadd.s32 $0x200, s1  }
0xe: {  	v1 =	vshrl.u32 v0, $0x3;
	s8 =	sadd.s32 $0x300, s1;
	s15 =	smax.u32 s15, $0x1;
	s5 =	sadd.s32 $0x3800, s10  }
0xf: {  	vm0 =	vmmov $0xffff;
	v0 =	vand.u32 $0x7, v0;
	v1 =	vmul.u32 $0x8, v1;
	s9 =	sadd.s32 $0x3A00, s14;
	s10 =	sadd.s32 $0x3600, s10;
	s14 =	sadd.s32 $0xBA00, s14  }
.LBB2_1:
0x10: {  	[tilespmem:s4], [sflag:$0x2] =	stream.linear.gather [hbm4b:s5+s4], $0x8, $0x38;
	[tilespmem:$0x2080] =	vst v63  }
0x11: {  	_ =	swait.ge [sflag:s16], $0x8  }
0x12: {  	[sflag:s16] =	ssyncset.done $0x0  }
0x13: {  	[sflag:s16] =	ssyncadd.s32 $0xFFFFFFF8  }
0x14: {  	v2 =	vld.msk [tilespmem:$0x0], $0xff;
	_ =	sdelay $0x4  }
0x15: {  	v3 =	vshll.u32 v2, $0x3  }
0x16: {  	v2 =	vand.u32 $0x7, v2;
	v3 =	vand.u32 $0xFFFFFFC0, v3  }
0x17: {  	v2 =	vor.u32 v2, v3  }
0x18: {  	v2 =	vperm.xlane v2, v0;
	_ =	sdelay $0x1  }
0x19: {  	v2 =	vadd.s32 v1, v2;
	_ =	sdelay $0x4  }
0x1a: {  	[tilespmem:s17], [sflag:$0x1] =	stream.indirect_vreg.gather [hbm4b:s1+s4], $0x80, v2, vm0, $0xb8;
	[tilespmem:$0x2080] =	vst v63  }
0x1b: {  	_ = 	snop  }
0x1c: {  	[tilespmem:s18], [sflag:$0x1] =	stream.indirect_vreg.gather [hbm4b:s6+s4], $0x80, v2, vm0, $0xb8;
	[tilespmem:$0x2080] =	vst v63  }
0x1d: {  	_ = 	snop  }
0x1e: {  	[tilespmem:s19], [sflag:$0x1] =	stream.indirect_vreg.gather [hbm4b:s7+s4], $0x80, v2, vm0, $0xb8;
	[tilespmem:$0x2080] =	vst v63  }
0x1f: {  	_ = 	snop  }
0x20: {  	[tilespmem:s20], [sflag:$0x1] =	stream.indirect_vreg.gather [hbm4b:s8+s4], $0x80, v2, vm0, $0xb8;
	[tilespmem:$0x2080] =	vst v63  }
0x21: {  	_ =	swait.ge [sflag:s21], $0x2000  }
0x22: {  	[sflag:s21] =	ssyncset.done $0x0  }
0x23: {  	[sflag:s21] =	ssyncadd.s32 $0xFFFFE000  }
0x24: {  	[hbm4b:s9+s4] =	stream.linear.scatter [tilespmem:s17], [sflag:$0x2], $0x2000, $0x38;
	[tilespmem:$0x2080] =	vst v63  }
0x25: {  	_ =	swait.ge [sflag:s16], $0x2000  }
0x26: {  	[sflag:s16] =	ssyncset.done $0x0  }
0x27: {  	[sflag:s16] =	ssyncadd.s32 $0xFFFFE000  }
0x28: {  	[tilespmem:s4], [sflag:$0x2] =	stream.linear.gather [hbm4b:s10+s4], $0x8, $0x38;
	[tilespmem:$0x2080] =	vst v63  }
0x29: {  	_ =	swait.ge [sflag:s16], $0x8  }
0x2a: {  	[sflag:s16] =	ssyncset.done $0x0  }
0x2b: {  	[sflag:s16] =	ssyncadd.s32 $0xFFFFFFF8  }
0x2c: {  	v2 =	vld.msk [tilespmem:$0x0], $0xff;
	_ =	sdelay $0x4  }
0x2d: {  	v3 =	vshll.u32 v2, $0x3  }
0x2e: {  	v2 =	vand.u32 $0x7, v2;
	v3 =	vand.u32 $0xFFFFFFC0, v3  }
0x2f: {  	v2 =	vor.u32 v2, v3  }
0x30: {  	v2 =	vperm.xlane v2, v0;
	_ =	sdelay $0x1  }
0x31: {  	v2 =	vadd.s32 v1, v2;
	_ =	sdelay $0x4  }
0x32: {  	[tilespmem:s17], [sflag:$0x1] =	stream.indirect_vreg.gather [hbm4b:s3+s4], $0x80, v2, vm0, $0xb8;
	[tilespmem:$0x2080] =	vst v63  }
0x33: {  	_ = 	snop  }
0x34: {  	[tilespmem:s18], [sflag:$0x1] =	stream.indirect_vreg.gather [hbm4b:s11+s4], $0x80, v2, vm0, $0xb8;
	[tilespmem:$0x2080] =	vst v63  }
0x35: {  	_ = 	snop  }
0x36: {  	[tilespmem:s19], [sflag:$0x1] =	stream.indirect_vreg.gather [hbm4b:s12+s4], $0x80, v2, vm0, $0xb8;
	[tilespmem:$0x2080] =	vst v63  }
0x37: {  	_ = 	snop  }
0x38: {  	[tilespmem:s20], [sflag:$0x1] =	stream.indirect_vreg.gather [hbm4b:s13+s4], $0x80, v2, vm0, $0xb8;
	[tilespmem:$0x2080] =	vst v63  }
0x39: {  	_ =	swait.ge [sflag:s21], $0x2000  }
0x3a: {  	p0 =	sne.s32 s15, $0x1;
	[sflag:s21] =	ssyncset.done $0x0  }
.Ltmp0:
0x3b: {  	[sflag:s21] =	ssyncadd.s32 $0xFFFFE000;
	(pc) =	sbr.rel @p0 .LBB2_1-.Ltmp0, $4  }
0x3c: {  	[hbm4b:s14+s4] =	stream.linear.scatter [tilespmem:s17], [sflag:$0x2], $0x2000, $0x38;
	[tilespmem:$0x2080] =	vst v63  }
0x3d: {  	_ =	swait.ge [sflag:s16], $0x2000  }
0x3e: {  	[sflag:s16] =	ssyncset.done $0x0  }
0x3f: {  	s15 =	sadd.s32 $0xFFFFFFFF, s15;
	[sflag:s16] =	ssyncadd.s32 $0xFFFFE000  }
0x40: {  	_ =	sfence.sel $0x180000  }
0x41: {  	[bflag:$0x0] =	sbarrier.arrive $0xFFFF  }
0x42: {  	p0 =	sne.s32 s2, $0x0;
	_ =	strace $0x90000047  }
0x43: {  	s0 =	sadd.s32 @!p0 $0x100000, s0;
	[bflag:$0x2] =	sbarrier.arrive $0xFFFF  }
0x44: {  	[sflag:s0] =	ssyncadd.tile.s32 @!p0 $0x1;
	_ =	shalt  }
.Lfunc_end2:
_tile_overlayer_lowered:
.L_overlay_start_2:
0x45: {  	(tag) =	ssettag $0x2  }
0x46: {  	s0 =	rddreg [dreg:$0x0];
	s2 =	stileid.u32  }
0x47: {  	s1 =	rddreg [dreg:$0x1];
	p0 =	sne.s32 s2, $0x0  }
0x48: {  	s3 =	rddreg [dreg:$0x2];
	[bflag:$0x3] =	sbarrier.arrive $0xFFFF;
	s2 =	simm.s32 @!p0 $0x1C02  }
0x49: {  	[timem:s3], [sflag:s2] =	dma.local @!p0 [hbm:s0], s1  }
0x4a: {  	s0 =	simm.s32 @!p0 $0x2  }
0x4b: {  	_ =	swait.ge @!p0 [sflag:s0], s1  }
0x4c: {  	s1 =	ssub.s32 @!p0 $0x0, s1;
	[sflag:s0] =	ssyncset.done @!p0 $0x0  }
0x4d: {  	[sflag:s0] =	ssyncadd.s32 @!p0 s1  }
0x4e: {  	[bflag:$0x3] =	sbarrier.arrive $0xFFFF  }
0x4f: {  	_ =	shalt  }

</sc_bundles>
